<compile_context>
chip_gen: v7x
topology: tpu7x:2x2x1
jax: 0.10.2.dev20260603
libtpu: 0.0.44.dev20260713+nightly
codegen_flags: <defaults>
</compile_context>

<pallas_src>
import functools

import jax
import jax.numpy as jnp
from jax import lax
from jax.experimental import pallas as pl
from jax.experimental.pallas import tpu as pltpu
from jax.experimental.pallas import tpu_sc as plsc

N = 10000
NP = 10112
RPT = NP // 16
NR = NP // 8
E = 320000
BLK = 128
NW = 32
NB = 80
E_PAD = NW * NB * BLK
F = 16

_mesh = plsc.VectorSubcoreMesh(core_axis_name="c", subcore_axis_name="s")


def _tc0_body(ei_ref, src_ref, dst_ref):
    fill = jnp.full((E_PAD - E,), N, jnp.int32)
    src_ref[:E] = ei_ref[0]
    src_ref[E:] = fill
    dst_ref[:E] = ei_ref[1]
    dst_ref[E:] = fill


@functools.partial(
    pl.kernel,
    out_type=(
        jax.ShapeDtypeStruct((NP, F), jnp.float32),
        jax.ShapeDtypeStruct((NP, F), jnp.float32),
    ),
    mesh=_mesh,
    compiler_params=pltpu.CompilerParams(use_tc_tiling_on_sc=False),
    scratch_types=[
        pltpu.VMEM((NB, BLK), jnp.int32),
        pltpu.VMEM((BLK,), jnp.float32),
        pltpu.VMEM((640,), jnp.float32),
        pltpu.VMEM((640, F), jnp.float32),
        pltpu.VMEM_SHARED((NP,), jnp.float32),
    ],
)
def _sc_degree(dst_hbm, out0_hbm, out1_hbm, dstv, ones_v, degbuf, repbuf,
               aggsh):
    c = lax.axis_index("c")
    s = lax.axis_index("s")
    wid = c * 16 + s
    pltpu.sync_copy(dst_hbm.at[pl.ds(wid * NB, NB)], dstv)

    def initz(i, carry):
        degbuf[pl.ds(i * 16, 16)] = jnp.zeros((16,), jnp.float32)
        return carry

    lax.fori_loop(0, 40, initz, 0)

    def init1(i, carry):
        ones_v[pl.ds(i * 16, 16)] = jnp.ones((16,), jnp.float32)
        return carry

    lax.fori_loop(0, BLK // 16, init1, 0)
    pltpu.sync_copy(degbuf.at[pl.ds(0, RPT)], aggsh.at[pl.ds(s * RPT, RPT)])
    plsc.subcore_barrier()

    def body(j, carry):
        pltpu.sync_copy(ones_v, aggsh.at[dstv.at[j]], add=True)
        return carry

    lax.fori_loop(0, NB, body, 0)
    plsc.subcore_barrier()

    pltpu.sync_copy(aggsh.at[pl.ds(s * RPT, RPT)], degbuf.at[pl.ds(0, RPT)])

    def repl(g, carry):
        v = degbuf[pl.ds(g * 16, 16)]
        for k in range(16):
            repbuf[g * 16 + k] = jnp.full((F,), v[k], jnp.float32)
        return carry

    lax.fori_loop(0, 40, repl, 0)

    @pl.when(c == 0)
    def _():
        pltpu.sync_copy(repbuf.at[pl.ds(0, RPT)],
                        out0_hbm.at[pl.ds(s * RPT, RPT)])

    @pl.when(c == 1)
    def _():
        pltpu.sync_copy(repbuf.at[pl.ds(0, RPT)],
                        out1_hbm.at[pl.ds(s * RPT, RPT)])


@functools.partial(
    pl.kernel,
    out_type=(
        jax.ShapeDtypeStruct((NP, F), jnp.float32),
        jax.ShapeDtypeStruct((NP, F), jnp.float32),
    ),
    mesh=_mesh,
    compiler_params=pltpu.CompilerParams(use_tc_tiling_on_sc=False),
    scratch_types=[
        pltpu.VMEM((NB, BLK), jnp.int32),
        pltpu.VMEM((NB, BLK), jnp.int32),
        pltpu.VMEM((BLK, F), jnp.float32),
        pltpu.VMEM((BLK, F), jnp.float32),
        pltpu.VMEM((RPT, F), jnp.float32),
        pltpu.VMEM_SHARED((NP, F), jnp.float32),
        pltpu.VMEM_SHARED((NP, F), jnp.float32),
        pltpu.SemaphoreType.DMA,
        pltpu.SemaphoreType.DMA,
    ],
)
def _sc_aggregate(u_hbm, src_hbm, dst_hbm, out0_hbm, out1_hbm,
                  srcv, dstv, rows0, rows1, zbuf, u_sh, aggsh, gsem0, gsem1):
    c = lax.axis_index("c")
    s = lax.axis_index("s")
    wid = c * 16 + s
    pltpu.sync_copy(src_hbm.at[pl.ds(wid * NB, NB)], srcv)
    pltpu.sync_copy(dst_hbm.at[pl.ds(wid * NB, NB)], dstv)
    pltpu.sync_copy(u_hbm.at[pl.ds(s * RPT, RPT)], u_sh.at[pl.ds(s * RPT, RPT)])

    def initz(i, carry):
        zbuf[i] = jnp.zeros((16,), jnp.float32)
        return carry

    lax.fori_loop(0, RPT, initz, 0)
    pltpu.sync_copy(zbuf, aggsh.at[pl.ds(s * RPT, RPT)])
    plsc.subcore_barrier()

    pltpu.async_copy(u_sh.at[srcv.at[0]], rows0, gsem0)

    def body(t, carry):
        j = t * 2
        pltpu.async_copy(u_sh.at[srcv.at[j + 1]], rows1, gsem1)
        pltpu.make_async_copy(u_sh.at[srcv.at[j]], rows0, gsem0).wait()
        pltpu.sync_copy(rows0, aggsh.at[dstv.at[j]], add=True)
        pltpu.async_copy(u_sh.at[srcv.at[j + 2]], rows0, gsem0)
        pltpu.make_async_copy(u_sh.at[srcv.at[j + 1]], rows1, gsem1).wait()
        pltpu.sync_copy(rows1, aggsh.at[dstv.at[j + 1]], add=True)
        return carry

    lax.fori_loop(0, NB // 2 - 1, body, 0)
    pltpu.async_copy(u_sh.at[srcv.at[NB - 1]], rows1, gsem1)
    pltpu.make_async_copy(u_sh.at[srcv.at[NB - 2]], rows0, gsem0).wait()
    pltpu.sync_copy(rows0, aggsh.at[dstv.at[NB - 2]], add=True)
    pltpu.make_async_copy(u_sh.at[srcv.at[NB - 1]], rows1, gsem1).wait()
    pltpu.sync_copy(rows1, aggsh.at[dstv.at[NB - 1]], add=True)

    plsc.subcore_barrier()

    @pl.when(c == 0)
    def _():
        pltpu.sync_copy(aggsh.at[pl.ds(s * RPT, RPT)],
                        out0_hbm.at[pl.ds(s * RPT, RPT)])

    @pl.when(c == 1)
    def _():
        pltpu.sync_copy(aggsh.at[pl.ds(s * RPT, RPT)],
                        out1_hbm.at[pl.ds(s * RPT, RPT)])


def _tc1_body(d0_ref, d1_ref, x_ref, w1_ref, u1_ref, dinv_ref):
    deg = d0_ref[...] + d1_ref[...] + 1.0
    dinv = lax.rsqrt(deg)
    dinv_ref[...] = dinv
    h = jnp.dot(x_ref[...], w1_ref[...], preferred_element_type=jnp.float32)
    u1_ref[...] = dinv * h


def _tc2_body(a0_ref, a1_ref, u1_ref, dinv_ref, b1_ref, u2_ref):
    dinv = dinv_ref[...]
    a = a0_ref[...] + a1_ref[...] + u1_ref[...]
    z = jnp.maximum(dinv * a + b1_ref[...], 0.0)
    u2_ref[...] = dinv * z


def _tc3_body(a0_ref, a1_ref, u2_ref, dinv_ref, w2_ref, b2_ref, g_ref,
              out_ref):
    pre = dinv_ref[...] * (a0_ref[...] + a1_ref[...] + u2_ref[...])
    logits = jnp.dot(pre, w2_ref[...], preferred_element_type=jnp.float32)
    logits = logits + b2_ref[...]
    e = jnp.exp(logits)
    s = jnp.dot(e, g_ref[...], preferred_element_type=jnp.float32)
    out_ref[...] = logits - jnp.log(s)


def kernel(x, edge_index, W1, b1, W2, b2):
    ei = edge_index.astype(jnp.int32)
    f32 = jnp.float32
    eye8 = jnp.eye(8, dtype=f32)

    src_flat, dst_flat = pl.pallas_call(
        _tc0_body,
        out_shape=(
            jax.ShapeDtypeStruct((E_PAD,), jnp.int32),
            jax.ShapeDtypeStruct((E_PAD,), jnp.int32),
        ),
    )(ei)
    src2d = src_flat.reshape(E_PAD // BLK, BLK)
    dst2d = dst_flat.reshape(E_PAD // BLK, BLK)

    deg0, deg1 = _sc_degree(dst2d)

    x128 = jnp.pad(x, ((0, NP - N), (0, 0))).reshape(NR, 1024)
    W1big = jnp.kron(eye8, W1)
    u1, dinv = pl.pallas_call(
        _tc1_body,
        out_shape=(
            jax.ShapeDtypeStruct((NR, 128), f32),
            jax.ShapeDtypeStruct((NR, 128), f32),
        ),
    )(deg0.reshape(NR, 128), deg1.reshape(NR, 128), x128, W1big)

    a10, a11 = _sc_aggregate(u1.reshape(NP, F), src2d, dst2d)

    b1big = jnp.tile(b1, 8).reshape(1, 128)
    u2 = pl.pallas_call(
        _tc2_body,
        out_shape=jax.ShapeDtypeStruct((NR, 128), f32),
    )(a10.reshape(NR, 128), a11.reshape(NR, 128), u1, dinv, b1big)

    a20, a21 = _sc_aggregate(u2.reshape(NP, F), src2d, dst2d)

    W2big = jnp.kron(eye8, W2)
    b2big = jnp.tile(b2, 8).reshape(1, 512)
    G = jnp.kron(eye8, jnp.ones((64, 64), f32))
    out512 = pl.pallas_call(
        _tc3_body,
        out_shape=jax.ShapeDtypeStruct((NR, 512), f32),
    )(a20.reshape(NR, 128), a21.reshape(NR, 128), u2, dinv, W2big, b2big, G)

    return out512.reshape(NP, 64)[:N]

# --- scband reference (transcript-rebuilt; emitter-appended) ---
"""Pipeline reference for scband-net-35888746725811 (READ-ONLY COPY).

The authoritative reference and input builder live on the scoring server;
editing this copy changes nothing except your own understanding.
"""

import jax, jax.numpy as jnp
import numpy as np

N_NODES = 10000


def gcn_conv(x, edge_index, W, b):
    n = x.shape[0]
    x = x @ W
    src = edge_index[0]
    dst = edge_index[1]
    loop = jnp.arange(n, dtype=edge_index.dtype)
    src = jnp.concatenate([src, loop])
    dst = jnp.concatenate([dst, loop])
    deg = jnp.zeros((n,), dtype=x.dtype).at[dst].add(1.0)
    deg_inv_sqrt = jnp.where(deg > 0, jax.lax.rsqrt(jnp.maximum(deg, 1e-12)), 0.0)
    norm = deg_inv_sqrt[src] * deg_inv_sqrt[dst]
    msg = x[src] * norm[:, None]
    out = jnp.zeros((n, x.shape[1]), dtype=x.dtype).at[dst].add(msg)
    return out + b


def setup_inputs(seed: int = 0) -> dict:
    key = jax.random.key(seed)
    k_x, k_e, k_w1, k_w2 = jax.random.split(key, 4)
    x = jax.random.normal(k_x, (N_NODES, 128), dtype=jnp.float32)
    edge_index = jax.random.randint(k_e, (2, 320000), 0, N_NODES, dtype=jnp.int64)
    # glorot-style init like PyG GCNConv
    W1 = jax.random.normal(k_w1, (128, 16), dtype=jnp.float32) * (1.0 / np.sqrt(128))
    b1 = jnp.zeros((16,), dtype=jnp.float32)
    W2 = jax.random.normal(k_w2, (16, 64), dtype=jnp.float32) * (1.0 / np.sqrt(16))
    b2 = jnp.zeros((64,), dtype=jnp.float32)
    return {"x": x, "edge_index": edge_index, "W1": W1, "b1": b1, "W2": W2, "b2": b2}


def reference(x, edge_index, W1, b1, W2, b2):
    h = gcn_conv(x, edge_index, W1, b1)
    h = jax.nn.relu(h)
    # F.dropout with training=False is identity (eval-mode reference)
    h = gcn_conv(h, edge_index, W2, b2)
    return jax.nn.log_softmax(h, axis=1)

if __name__ == "__main__":
    import jax
    _d = setup_inputs()
    print(jax.jit(kernel)(*tuple(_d.values())))

</pallas_src>

<mosaic_0001>
#map = affine_map<(d0, d1) -> (0, 0)>
module attributes {stable_mosaic.version = 14 : i64} {
  func.func @_sc_aggregate(%arg0: i32, %arg1: i32, %arg2: memref<10112x16xf32, #tpu.memory_space<hbm>>, %arg3: memref<2560x128xi32, #tpu.memory_space<hbm>>, %arg4: memref<2560x128xi32, #tpu.memory_space<hbm>>, %arg5: memref<10112x16xf32, #tpu.memory_space<hbm>>, %arg6: memref<10112x16xf32, #tpu.memory_space<hbm>>, %arg7: memref<80x128xi32, #tpu.memory_space<vmem>>, %arg8: memref<80x128xi32, #tpu.memory_space<vmem>>, %arg9: memref<128x16xf32, #tpu.memory_space<vmem>>, %arg10: memref<128x16xf32, #tpu.memory_space<vmem>>, %arg11: memref<632x16xf32, #tpu.memory_space<vmem>>, %arg12: memref<10112x16xf32, #tpu.memory_space<vmem_shared>>, %arg13: memref<10112x16xf32, #tpu.memory_space<vmem_shared>>, %arg14: memref<!tpu.dma_semaphore, #tpu.memory_space<semaphore_mem>>, %arg15: memref<!tpu.dma_semaphore, #tpu.memory_space<semaphore_mem>>) attributes {dimension_semantics = [#tpu.dimension_semantics<core_parallel>, #tpu.dimension_semantics<subcore_parallel>], iteration_bounds = array<i64: 2, 16>, scalar_prefetch = 0 : i64, scratch_operands = 9 : i64, tpu.core_type = #tpu.core_type<sc_vector_subcore>, window_params = [{transform_indices = #map}, {transform_indices = #map}, {transform_indices = #map}, {transform_indices = #map}, {transform_indices = #map}]} {
    %mul3A = arith.constant 16 : i32
    %mul3A_0 = arith.muli %arg0, %mul3A : i32
    %add3A = arith.addi %mul3A_0, %arg1 : i32
    %mul3A_1 = arith.constant 80 : i32
    %mul3A_2 = arith.muli %add3A, %mul3A_1 : i32
    "tpu.region"() ({
      %run_scoped3A_57 = tpu.sem_alloc : memref<!tpu.dma_semaphore, #tpu.memory_space<semaphore_mem>>
      %dma_start3A_58 = arith.constant 0 : i32
      %dma_start3A_59 = tpu.memref_slice %arg3[%mul3A_2, %dma_start3A_58] : memref<2560x128xi32, #tpu.memory_space<hbm>> -> memref<80x128xi32, #tpu.memory_space<hbm>>
      %dma_start3A_60 = arith.constant 0 : i32
      %dma_start3A_61 = tpu.memref_slice %arg3[%mul3A_2, %dma_start3A_60] : memref<2560x128xi32, #tpu.memory_space<hbm>> -> memref<80x128xi32, #tpu.memory_space<hbm>>
      tpu.enqueue_dma source(%dma_start3A_61 : memref<80x128xi32, #tpu.memory_space<hbm>>) target(%arg7 : memref<80x128xi32, #tpu.memory_space<vmem>>) target_semaphore(%run_scoped3A_57 : memref<!tpu.dma_semaphore, #tpu.memory_space<semaphore_mem>>)
      %dma_wait3A_62 = arith.constant 0 : i32
      %dma_wait3A_63 = tpu.memref_slice %arg3[%mul3A_2, %dma_wait3A_62] : memref<2560x128xi32, #tpu.memory_space<hbm>> -> memref<80x128xi32, #tpu.memory_space<hbm>>
      %dma_wait3A_64 = arith.constant 0 : i32
      %dma_wait3A_65 = tpu.memref_slice %arg3[%mul3A_2, %dma_wait3A_64] : memref<2560x128xi32, #tpu.memory_space<hbm>> -> memref<80x128xi32, #tpu.memory_space<hbm>>
      tpu.wait_dma2 semaphore(%run_scoped3A_57 : memref<!tpu.dma_semaphore, #tpu.memory_space<semaphore_mem>>) src(%dma_wait3A_65 : memref<80x128xi32, #tpu.memory_space<hbm>>) dst(%arg7 : memref<80x128xi32, #tpu.memory_space<vmem>>)
      tpu.yield
    }) : () -> ()
    %mul3A_3 = arith.constant 80 : i32
    %mul3A_4 = arith.muli %add3A, %mul3A_3 : i32
    "tpu.region"() ({
      %run_scoped3A_57 = tpu.sem_alloc : memref<!tpu.dma_semaphore, #tpu.memory_space<semaphore_mem>>
      %dma_start3A_58 = arith.constant 0 : i32
      %dma_start3A_59 = tpu.memref_slice %arg4[%mul3A_4, %dma_start3A_58] : memref<2560x128xi32, #tpu.memory_space<hbm>> -> memref<80x128xi32, #tpu.memory_space<hbm>>
      %dma_start3A_60 = arith.constant 0 : i32
      %dma_start3A_61 = tpu.memref_slice %arg4[%mul3A_4, %dma_start3A_60] : memref<2560x128xi32, #tpu.memory_space<hbm>> -> memref<80x128xi32, #tpu.memory_space<hbm>>
      tpu.enqueue_dma source(%dma_start3A_61 : memref<80x128xi32, #tpu.memory_space<hbm>>) target(%arg8 : memref<80x128xi32, #tpu.memory_space<vmem>>) target_semaphore(%run_scoped3A_57 : memref<!tpu.dma_semaphore, #tpu.memory_space<semaphore_mem>>)
      %dma_wait3A_62 = arith.constant 0 : i32
      %dma_wait3A_63 = tpu.memref_slice %arg4[%mul3A_4, %dma_wait3A_62] : memref<2560x128xi32, #tpu.memory_space<hbm>> -> memref<80x128xi32, #tpu.memory_space<hbm>>
      %dma_wait3A_64 = arith.constant 0 : i32
      %dma_wait3A_65 = tpu.memref_slice %arg4[%mul3A_4, %dma_wait3A_64] : memref<2560x128xi32, #tpu.memory_space<hbm>> -> memref<80x128xi32, #tpu.memory_space<hbm>>
      tpu.wait_dma2 semaphore(%run_scoped3A_57 : memref<!tpu.dma_semaphore, #tpu.memory_space<semaphore_mem>>) src(%dma_wait3A_65 : memref<80x128xi32, #tpu.memory_space<hbm>>) dst(%arg8 : memref<80x128xi32, #tpu.memory_space<vmem>>)
      tpu.yield
    }) : () -> ()
    %mul3A_5 = arith.constant 632 : i32
    %mul3A_6 = arith.muli %arg1, %mul3A_5 : i32
    %mul3A_7 = arith.constant 632 : i32
    %mul3A_8 = arith.muli %arg1, %mul3A_7 : i32
    "tpu.region"() ({
      %run_scoped3A_57 = tpu.sem_alloc : memref<!tpu.dma_semaphore, #tpu.memory_space<semaphore_mem>>
      %dma_start3A_58 = arith.constant 0 : i32
      %dma_start3A_59 = tpu.memref_slice %arg12[%mul3A_8, %dma_start3A_58] : memref<10112x16xf32, #tpu.memory_space<vmem_shared>> -> memref<632x16xf32, #tpu.memory_space<vmem_shared>>
      %dma_start3A_60 = arith.constant 0 : i32
      %dma_start3A_61 = tpu.memref_slice %arg2[%mul3A_6, %dma_start3A_60] : memref<10112x16xf32, #tpu.memory_space<hbm>> -> memref<632x16xf32, #tpu.memory_space<hbm>>
      tpu.enqueue_dma source(%dma_start3A_61 : memref<632x16xf32, #tpu.memory_space<hbm>>) target(%dma_start3A_59 : memref<632x16xf32, #tpu.memory_space<vmem_shared>>) target_semaphore(%run_scoped3A_57 : memref<!tpu.dma_semaphore, #tpu.memory_space<semaphore_mem>>)
      %dma_wait3A_62 = arith.constant 0 : i32
      %dma_wait3A_63 = tpu.memref_slice %arg12[%mul3A_8, %dma_wait3A_62] : memref<10112x16xf32, #tpu.memory_space<vmem_shared>> -> memref<632x16xf32, #tpu.memory_space<vmem_shared>>
      %dma_wait3A_64 = arith.constant 0 : i32
      %dma_wait3A_65 = tpu.memref_slice %arg2[%mul3A_6, %dma_wait3A_64] : memref<10112x16xf32, #tpu.memory_space<hbm>> -> memref<632x16xf32, #tpu.memory_space<hbm>>
      tpu.wait_dma2 semaphore(%run_scoped3A_57 : memref<!tpu.dma_semaphore, #tpu.memory_space<semaphore_mem>>) src(%dma_wait3A_65 : memref<632x16xf32, #tpu.memory_space<hbm>>) dst(%dma_wait3A_63 : memref<632x16xf32, #tpu.memory_space<vmem_shared>>)
      tpu.yield
    }) : () -> ()
    %scan3A = arith.constant 0 : i32
    %scan3A_9 = arith.constant 0 : i32
    %scan3A_10 = arith.constant 632 : i32
    %scan3A_11 = arith.addi %scan3A_9, %scan3A_10 : i32
    %scan3A_12 = arith.constant 1 : i32
    scf.for %scan3A_57 = %scan3A_9 to %scan3A_11 step %scan3A_12  : i32 {
      %broadcast_in_dim3A = arith.constant 0.000000e+00 : f32
      %broadcast_in_dim3A_58 = vector.broadcast %broadcast_in_dim3A : f32 to vector<16xf32>
      %swap3A = arith.index_cast %scan3A_57 : i32 to index
      %swap3A_59 = arith.constant 0 : index
      %swap3A_60 = tpu.vector_load %arg11[%swap3A, %swap3A_59] {strides = array<i32>} : memref<632x16xf32, #tpu.memory_space<vmem>>, vector<1x16xf32>,
      %swap3A_61 = vector.shape_cast %swap3A_60 : vector<1x16xf32> to vector<16xf32>
      %swap3A_62 = vector.shape_cast %broadcast_in_dim3A_58 : vector<16xf32> to vector<1x16xf32>
      tpu.vector_store %arg11[%swap3A, %swap3A_59], %swap3A_62 {strides = array<i32>} : memref<632x16xf32, #tpu.memory_space<vmem>>, vector<1x16xf32>,
    }
    %scan3A_13 = arith.constant 632 : i32
    %mul3A_14 = arith.constant 632 : i32
    %mul3A_15 = arith.muli %arg1, %mul3A_14 : i32
    "tpu.region"() ({
      %run_scoped3A_57 = tpu.sem_alloc : memref<!tpu.dma_semaphore, #tpu.memory_space<semaphore_mem>>
      %dma_start3A_58 = arith.constant 0 : i32
      %dma_start3A_59 = tpu.memref_slice %arg13[%mul3A_15, %dma_start3A_58] : memref<10112x16xf32, #tpu.memory_space<vmem_shared>> -> memref<632x16xf32, #tpu.memory_space<vmem_shared>>
      %dma_start3A_60 = arith.constant 0 : i32
      %dma_start3A_61 = tpu.memref_slice %arg13[%mul3A_15, %dma_start3A_60] : memref<10112x16xf32, #tpu.memory_space<vmem_shared>> -> memref<632x16xf32, #tpu.memory_space<vmem_shared>>
      tpu.enqueue_dma source(%arg11 : memref<632x16xf32, #tpu.memory_space<vmem>>) target(%dma_start3A_61 : memref<632x16xf32, #tpu.memory_space<vmem_shared>>) target_semaphore(%run_scoped3A_57 : memref<!tpu.dma_semaphore, #tpu.memory_space<semaphore_mem>>)
      %dma_wait3A_62 = arith.constant 0 : i32
      %dma_wait3A_63 = tpu.memref_slice %arg13[%mul3A_15, %dma_wait3A_62] : memref<10112x16xf32, #tpu.memory_space<vmem_shared>> -> memref<632x16xf32, #tpu.memory_space<vmem_shared>>
      %dma_wait3A_64 = arith.constant 0 : i32
      %dma_wait3A_65 = tpu.memref_slice %arg13[%mul3A_15, %dma_wait3A_64] : memref<10112x16xf32, #tpu.memory_space<vmem_shared>> -> memref<632x16xf32, #tpu.memory_space<vmem_shared>>
      tpu.wait_dma2 semaphore(%run_scoped3A_57 : memref<!tpu.dma_semaphore, #tpu.memory_space<semaphore_mem>>) src(%arg11 : memref<632x16xf32, #tpu.memory_space<vmem>>) dst(%dma_wait3A_65 : memref<632x16xf32, #tpu.memory_space<vmem_shared>>)
      tpu.yield
    }) : () -> ()
    %barrier3A = arith.constant 0 : index
    tpu.barrier barrier_id(%barrier3A)
    %dma_start3A = arith.constant 0 : i32
    %dma_start3A_16 = arith.constant 0 : i32
    %dma_start3A_17 = tpu.memref_slice %arg7[%dma_start3A, %dma_start3A_16] : memref<80x128xi32, #tpu.memory_space<vmem>> -> memref<1x128xi32, #tpu.memory_space<vmem>>
    %dma_start3A_18 = tpu.memref_squeeze %dma_start3A_17 : memref<1x128xi32, #tpu.memory_space<vmem>> -> memref<128xi32, #tpu.memory_space<vmem>>
    %dma_start3A_19 = arith.constant 0 : i32
    %dma_start3A_20 = arith.constant 0 : i32
    %dma_start3A_21 = tpu.memref_slice %arg12[%dma_start3A_19, %dma_start3A_20] : memref<10112x16xf32, #tpu.memory_space<vmem_shared>> -> memref<10112x16xf32, #tpu.memory_space<vmem_shared>>
    tpu.enqueue_indirect_dma source(%dma_start3A_21 : memref<10112x16xf32, #tpu.memory_space<vmem_shared>>) target(%arg9 : memref<128x16xf32, #tpu.memory_space<vmem>>) offsets(%dma_start3A_18 : memref<128xi32, #tpu.memory_space<vmem>>) semaphore(%arg14 : memref<!tpu.dma_semaphore, #tpu.memory_space<semaphore_mem>>)
    %scan3A_22 = arith.constant 0 : i32
    %scan3A_23 = arith.constant 0 : i32
    %scan3A_24 = arith.constant 39 : i32
    %scan3A_25 = arith.addi %scan3A_23, %scan3A_24 : i32
    %scan3A_26 = arith.constant 1 : i32
    scf.for %scan3A_57 = %scan3A_23 to %scan3A_25 step %scan3A_26  : i32 {
      %mul3A_58 = arith.constant 2 : i32
      %mul3A_59 = arith.muli %scan3A_57, %mul3A_58 : i32
      %add3A_60 = arith.constant 1 : i32
      %add3A_61 = arith.addi %mul3A_59, %add3A_60 : i32
      %dma_start3A_62 = arith.constant 0 : i32
      %dma_start3A_63 = tpu.memref_slice %arg7[%add3A_61, %dma_start3A_62] : memref<80x128xi32, #tpu.memory_space<vmem>> -> memref<1x128xi32, #tpu.memory_space<vmem>>
      %dma_start3A_64 = tpu.memref_squeeze %dma_start3A_63 : memref<1x128xi32, #tpu.memory_space<vmem>> -> memref<128xi32, #tpu.memory_space<vmem>>
      %dma_start3A_65 = arith.constant 0 : i32
      %dma_start3A_66 = arith.constant 0 : i32
      %dma_start3A_67 = tpu.memref_slice %arg12[%dma_start3A_65, %dma_start3A_66] : memref<10112x16xf32, #tpu.memory_space<vmem_shared>> -> memref<10112x16xf32, #tpu.memory_space<vmem_shared>>
      tpu.enqueue_indirect_dma source(%dma_start3A_67 : memref<10112x16xf32, #tpu.memory_space<vmem_shared>>) target(%arg10 : memref<128x16xf32, #tpu.memory_space<vmem>>) offsets(%dma_start3A_64 : memref<128xi32, #tpu.memory_space<vmem>>) semaphore(%arg15 : memref<!tpu.dma_semaphore, #tpu.memory_space<semaphore_mem>>)
      %dma_wait3A_68 = arith.constant 0 : i32
      %dma_wait3A_69 = tpu.memref_slice %arg7[%mul3A_59, %dma_wait3A_68] : memref<80x128xi32, #tpu.memory_space<vmem>> -> memref<1x128xi32, #tpu.memory_space<vmem>>
      %dma_wait3A_70 = tpu.memref_squeeze %dma_wait3A_69 : memref<1x128xi32, #tpu.memory_space<vmem>> -> memref<128xi32, #tpu.memory_space<vmem>>
      %dma_wait3A_71 = arith.constant 0 : i32
      %dma_wait3A_72 = arith.constant 0 : i32
      %dma_wait3A_73 = tpu.memref_slice %arg12[%dma_wait3A_71, %dma_wait3A_72] : memref<10112x16xf32, #tpu.memory_space<vmem_shared>> -> memref<10112x16xf32, #tpu.memory_space<vmem_shared>>
      tpu.wait_indirect_dma semaphore(%arg14 : memref<!tpu.dma_semaphore, #tpu.memory_space<semaphore_mem>>) src(%dma_wait3A_73 : memref<10112x16xf32, #tpu.memory_space<vmem_shared>>) dst(%arg9 : memref<128x16xf32, #tpu.memory_space<vmem>>)
      "tpu.region"() ({
        %run_scoped3A_92 = tpu.sem_alloc : memref<!tpu.dma_semaphore, #tpu.memory_space<semaphore_mem>>
        %dma_start3A_93 = arith.constant 0 : i32
        %dma_start3A_94 = tpu.memref_slice %arg8[%mul3A_59, %dma_start3A_93] : memref<80x128xi32, #tpu.memory_space<vmem>> -> memref<1x128xi32, #tpu.memory_space<vmem>>
        %dma_start3A_95 = tpu.memref_squeeze %dma_start3A_94 : memref<1x128xi32, #tpu.memory_space<vmem>> -> memref<128xi32, #tpu.memory_space<vmem>>
        %dma_start3A_96 = arith.constant 0 : i32
        %dma_start3A_97 = arith.constant 0 : i32
        %dma_start3A_98 = tpu.memref_slice %arg13[%dma_start3A_96, %dma_start3A_97] : memref<10112x16xf32, #tpu.memory_space<vmem_shared>> -> memref<10112x16xf32, #tpu.memory_space<vmem_shared>>
        tpu.enqueue_indirect_dma source(%arg9 : memref<128x16xf32, #tpu.memory_space<vmem>>) target(%dma_start3A_98 : memref<10112x16xf32, #tpu.memory_space<vmem_shared>>) offsets(%dma_start3A_95 : memref<128xi32, #tpu.memory_space<vmem>>) semaphore(%run_scoped3A_92 : memref<!tpu.dma_semaphore, #tpu.memory_space<semaphore_mem>>) {add = true}
        %dma_wait3A_99 = arith.constant 0 : i32
        %dma_wait3A_100 = tpu.memref_slice %arg8[%mul3A_59, %dma_wait3A_99] : memref<80x128xi32, #tpu.memory_space<vmem>> -> memref<1x128xi32, #tpu.memory_space<vmem>>
        %dma_wait3A_101 = tpu.memref_squeeze %dma_wait3A_100 : memref<1x128xi32, #tpu.memory_space<vmem>> -> memref<128xi32, #tpu.memory_space<vmem>>
        %dma_wait3A_102 = arith.constant 0 : i32
        %dma_wait3A_103 = arith.constant 0 : i32
        %dma_wait3A_104 = tpu.memref_slice %arg13[%dma_wait3A_102, %dma_wait3A_103] : memref<10112x16xf32, #tpu.memory_space<vmem_shared>> -> memref<10112x16xf32, #tpu.memory_space<vmem_shared>>
        tpu.wait_indirect_dma semaphore(%run_scoped3A_92 : memref<!tpu.dma_semaphore, #tpu.memory_space<semaphore_mem>>) src(%arg9 : memref<128x16xf32, #tpu.memory_space<vmem>>) dst(%dma_wait3A_104 : memref<10112x16xf32, #tpu.memory_space<vmem_shared>>)
        tpu.yield
      }) : () -> ()
      %add3A_74 = arith.constant 2 : i32
      %add3A_75 = arith.addi %mul3A_59, %add3A_74 : i32
      %dma_start3A_76 = arith.constant 0 : i32
      %dma_start3A_77 = tpu.memref_slice %arg7[%add3A_75, %dma_start3A_76] : memref<80x128xi32, #tpu.memory_space<vmem>> -> memref<1x128xi32, #tpu.memory_space<vmem>>
      %dma_start3A_78 = tpu.memref_squeeze %dma_start3A_77 : memref<1x128xi32, #tpu.memory_space<vmem>> -> memref<128xi32, #tpu.memory_space<vmem>>
      %dma_start3A_79 = arith.constant 0 : i32
      %dma_start3A_80 = arith.constant 0 : i32
      %dma_start3A_81 = tpu.memref_slice %arg12[%dma_start3A_79, %dma_start3A_80] : memref<10112x16xf32, #tpu.memory_space<vmem_shared>> -> memref<10112x16xf32, #tpu.memory_space<vmem_shared>>
      tpu.enqueue_indirect_dma source(%dma_start3A_81 : memref<10112x16xf32, #tpu.memory_space<vmem_shared>>) target(%arg9 : memref<128x16xf32, #tpu.memory_space<vmem>>) offsets(%dma_start3A_78 : memref<128xi32, #tpu.memory_space<vmem>>) semaphore(%arg14 : memref<!tpu.dma_semaphore, #tpu.memory_space<semaphore_mem>>)
      %add3A_82 = arith.constant 1 : i32
      %add3A_83 = arith.addi %mul3A_59, %add3A_82 : i32
      %dma_wait3A_84 = arith.constant 0 : i32
      %dma_wait3A_85 = tpu.memref_slice %arg7[%add3A_83, %dma_wait3A_84] : memref<80x128xi32, #tpu.memory_space<vmem>> -> memref<1x128xi32, #tpu.memory_space<vmem>>
      %dma_wait3A_86 = tpu.memref_squeeze %dma_wait3A_85 : memref<1x128xi32, #tpu.memory_space<vmem>> -> memref<128xi32, #tpu.memory_space<vmem>>
      %dma_wait3A_87 = arith.constant 0 : i32
      %dma_wait3A_88 = arith.constant 0 : i32
      %dma_wait3A_89 = tpu.memref_slice %arg12[%dma_wait3A_87, %dma_wait3A_88] : memref<10112x16xf32, #tpu.memory_space<vmem_shared>> -> memref<10112x16xf32, #tpu.memory_space<vmem_shared>>
      tpu.wait_indirect_dma semaphore(%arg15 : memref<!tpu.dma_semaphore, #tpu.memory_space<semaphore_mem>>) src(%dma_wait3A_89 : memref<10112x16xf32, #tpu.memory_space<vmem_shared>>) dst(%arg10 : memref<128x16xf32, #tpu.memory_space<vmem>>)
      %add3A_90 = arith.constant 1 : i32
      %add3A_91 = arith.addi %mul3A_59, %add3A_90 : i32
      "tpu.region"() ({
        %run_scoped3A_92 = tpu.sem_alloc : memref<!tpu.dma_semaphore, #tpu.memory_space<semaphore_mem>>
        %dma_start3A_93 = arith.constant 0 : i32
        %dma_start3A_94 = tpu.memref_slice %arg8[%add3A_91, %dma_start3A_93] : memref<80x128xi32, #tpu.memory_space<vmem>> -> memref<1x128xi32, #tpu.memory_space<vmem>>
        %dma_start3A_95 = tpu.memref_squeeze %dma_start3A_94 : memref<1x128xi32, #tpu.memory_space<vmem>> -> memref<128xi32, #tpu.memory_space<vmem>>
        %dma_start3A_96 = arith.constant 0 : i32
        %dma_start3A_97 = arith.constant 0 : i32
        %dma_start3A_98 = tpu.memref_slice %arg13[%dma_start3A_96, %dma_start3A_97] : memref<10112x16xf32, #tpu.memory_space<vmem_shared>> -> memref<10112x16xf32, #tpu.memory_space<vmem_shared>>
        tpu.enqueue_indirect_dma source(%arg10 : memref<128x16xf32, #tpu.memory_space<vmem>>) target(%dma_start3A_98 : memref<10112x16xf32, #tpu.memory_space<vmem_shared>>) offsets(%dma_start3A_95 : memref<128xi32, #tpu.memory_space<vmem>>) semaphore(%run_scoped3A_92 : memref<!tpu.dma_semaphore, #tpu.memory_space<semaphore_mem>>) {add = true}
        %dma_wait3A_99 = arith.constant 0 : i32
        %dma_wait3A_100 = tpu.memref_slice %arg8[%add3A_91, %dma_wait3A_99] : memref<80x128xi32, #tpu.memory_space<vmem>> -> memref<1x128xi32, #tpu.memory_space<vmem>>
        %dma_wait3A_101 = tpu.memref_squeeze %dma_wait3A_100 : memref<1x128xi32, #tpu.memory_space<vmem>> -> memref<128xi32, #tpu.memory_space<vmem>>
        %dma_wait3A_102 = arith.constant 0 : i32
        %dma_wait3A_103 = arith.constant 0 : i32
        %dma_wait3A_104 = tpu.memref_slice %arg13[%dma_wait3A_102, %dma_wait3A_103] : memref<10112x16xf32, #tpu.memory_space<vmem_shared>> -> memref<10112x16xf32, #tpu.memory_space<vmem_shared>>
        tpu.wait_indirect_dma semaphore(%run_scoped3A_92 : memref<!tpu.dma_semaphore, #tpu.memory_space<semaphore_mem>>) src(%arg10 : memref<128x16xf32, #tpu.memory_space<vmem>>) dst(%dma_wait3A_104 : memref<10112x16xf32, #tpu.memory_space<vmem_shared>>)
        tpu.yield
      }) : () -> ()
    }
    %scan3A_27 = arith.constant 39 : i32
    %dma_start3A_28 = arith.constant 79 : i32
    %dma_start3A_29 = arith.constant 0 : i32
    %dma_start3A_30 = tpu.memref_slice %arg7[%dma_start3A_28, %dma_start3A_29] : memref<80x128xi32, #tpu.memory_space<vmem>> -> memref<1x128xi32, #tpu.memory_space<vmem>>
    %dma_start3A_31 = tpu.memref_squeeze %dma_start3A_30 : memref<1x128xi32, #tpu.memory_space<vmem>> -> memref<128xi32, #tpu.memory_space<vmem>>
    %dma_start3A_32 = arith.constant 0 : i32
    %dma_start3A_33 = arith.constant 0 : i32
    %dma_start3A_34 = tpu.memref_slice %arg12[%dma_start3A_32, %dma_start3A_33] : memref<10112x16xf32, #tpu.memory_space<vmem_shared>> -> memref<10112x16xf32, #tpu.memory_space<vmem_shared>>
    tpu.enqueue_indirect_dma source(%dma_start3A_34 : memref<10112x16xf32, #tpu.memory_space<vmem_shared>>) target(%arg10 : memref<128x16xf32, #tpu.memory_space<vmem>>) offsets(%dma_start3A_31 : memref<128xi32, #tpu.memory_space<vmem>>) semaphore(%arg15 : memref<!tpu.dma_semaphore, #tpu.memory_space<semaphore_mem>>)
    %dma_wait3A = arith.constant 78 : i32
    %dma_wait3A_35 = arith.constant 0 : i32
    %dma_wait3A_36 = tpu.memref_slice %arg7[%dma_wait3A, %dma_wait3A_35] : memref<80x128xi32, #tpu.memory_space<vmem>> -> memref<1x128xi32, #tpu.memory_space<vmem>>
    %dma_wait3A_37 = tpu.memref_squeeze %dma_wait3A_36 : memref<1x128xi32, #tpu.memory_space<vmem>> -> memref<128xi32, #tpu.memory_space<vmem>>
    %dma_wait3A_38 = arith.constant 0 : i32
    %dma_wait3A_39 = arith.constant 0 : i32
    %dma_wait3A_40 = tpu.memref_slice %arg12[%dma_wait3A_38, %dma_wait3A_39] : memref<10112x16xf32, #tpu.memory_space<vmem_shared>> -> memref<10112x16xf32, #tpu.memory_space<vmem_shared>>
    tpu.wait_indirect_dma semaphore(%arg14 : memref<!tpu.dma_semaphore, #tpu.memory_space<semaphore_mem>>) src(%dma_wait3A_40 : memref<10112x16xf32, #tpu.memory_space<vmem_shared>>) dst(%arg9 : memref<128x16xf32, #tpu.memory_space<vmem>>)
    %run_scoped3A = arith.constant 78 : i32
    "tpu.region"() ({
      %run_scoped3A_57 = tpu.sem_alloc : memref<!tpu.dma_semaphore, #tpu.memory_space<semaphore_mem>>
      %dma_start3A_58 = arith.constant 0 : i32
      %dma_start3A_59 = tpu.memref_slice %arg8[%run_scoped3A, %dma_start3A_58] : memref<80x128xi32, #tpu.memory_space<vmem>> -> memref<1x128xi32, #tpu.memory_space<vmem>>
      %dma_start3A_60 = tpu.memref_squeeze %dma_start3A_59 : memref<1x128xi32, #tpu.memory_space<vmem>> -> memref<128xi32, #tpu.memory_space<vmem>>
      %dma_start3A_61 = arith.constant 0 : i32
      %dma_start3A_62 = arith.constant 0 : i32
      %dma_start3A_63 = tpu.memref_slice %arg13[%dma_start3A_61, %dma_start3A_62] : memref<10112x16xf32, #tpu.memory_space<vmem_shared>> -> memref<10112x16xf32, #tpu.memory_space<vmem_shared>>
      tpu.enqueue_indirect_dma source(%arg9 : memref<128x16xf32, #tpu.memory_space<vmem>>) target(%dma_start3A_63 : memref<10112x16xf32, #tpu.memory_space<vmem_shared>>) offsets(%dma_start3A_60 : memref<128xi32, #tpu.memory_space<vmem>>) semaphore(%run_scoped3A_57 : memref<!tpu.dma_semaphore, #tpu.memory_space<semaphore_mem>>) {add = true}
      %dma_wait3A_64 = arith.constant 0 : i32
      %dma_wait3A_65 = tpu.memref_slice %arg8[%run_scoped3A, %dma_wait3A_64] : memref<80x128xi32, #tpu.memory_space<vmem>> -> memref<1x128xi32, #tpu.memory_space<vmem>>
      %dma_wait3A_66 = tpu.memref_squeeze %dma_wait3A_65 : memref<1x128xi32, #tpu.memory_space<vmem>> -> memref<128xi32, #tpu.memory_space<vmem>>
      %dma_wait3A_67 = arith.constant 0 : i32
      %dma_wait3A_68 = arith.constant 0 : i32
      %dma_wait3A_69 = tpu.memref_slice %arg13[%dma_wait3A_67, %dma_wait3A_68] : memref<10112x16xf32, #tpu.memory_space<vmem_shared>> -> memref<10112x16xf32, #tpu.memory_space<vmem_shared>>
      tpu.wait_indirect_dma semaphore(%run_scoped3A_57 : memref<!tpu.dma_semaphore, #tpu.memory_space<semaphore_mem>>) src(%arg9 : memref<128x16xf32, #tpu.memory_space<vmem>>) dst(%dma_wait3A_69 : memref<10112x16xf32, #tpu.memory_space<vmem_shared>>)
      tpu.yield
    }) : () -> ()
    %dma_wait3A_41 = arith.constant 79 : i32
    %dma_wait3A_42 = arith.constant 0 : i32
    %dma_wait3A_43 = tpu.memref_slice %arg7[%dma_wait3A_41, %dma_wait3A_42] : memref<80x128xi32, #tpu.memory_space<vmem>> -> memref<1x128xi32, #tpu.memory_space<vmem>>
    %dma_wait3A_44 = tpu.memref_squeeze %dma_wait3A_43 : memref<1x128xi32, #tpu.memory_space<vmem>> -> memref<128xi32, #tpu.memory_space<vmem>>
    %dma_wait3A_45 = arith.constant 0 : i32
    %dma_wait3A_46 = arith.constant 0 : i32
    %dma_wait3A_47 = tpu.memref_slice %arg12[%dma_wait3A_45, %dma_wait3A_46] : memref<10112x16xf32, #tpu.memory_space<vmem_shared>> -> memref<10112x16xf32, #tpu.memory_space<vmem_shared>>
    tpu.wait_indirect_dma semaphore(%arg15 : memref<!tpu.dma_semaphore, #tpu.memory_space<semaphore_mem>>) src(%dma_wait3A_47 : memref<10112x16xf32, #tpu.memory_space<vmem_shared>>) dst(%arg10 : memref<128x16xf32, #tpu.memory_space<vmem>>)
    %run_scoped3A_48 = arith.constant 79 : i32
    "tpu.region"() ({
      %run_scoped3A_57 = tpu.sem_alloc : memref<!tpu.dma_semaphore, #tpu.memory_space<semaphore_mem>>
      %dma_start3A_58 = arith.constant 0 : i32
      %dma_start3A_59 = tpu.memref_slice %arg8[%run_scoped3A_48, %dma_start3A_58] : memref<80x128xi32, #tpu.memory_space<vmem>> -> memref<1x128xi32, #tpu.memory_space<vmem>>
      %dma_start3A_60 = tpu.memref_squeeze %dma_start3A_59 : memref<1x128xi32, #tpu.memory_space<vmem>> -> memref<128xi32, #tpu.memory_space<vmem>>
      %dma_start3A_61 = arith.constant 0 : i32
      %dma_start3A_62 = arith.constant 0 : i32
      %dma_start3A_63 = tpu.memref_slice %arg13[%dma_start3A_61, %dma_start3A_62] : memref<10112x16xf32, #tpu.memory_space<vmem_shared>> -> memref<10112x16xf32, #tpu.memory_space<vmem_shared>>
      tpu.enqueue_indirect_dma source(%arg10 : memref<128x16xf32, #tpu.memory_space<vmem>>) target(%dma_start3A_63 : memref<10112x16xf32, #tpu.memory_space<vmem_shared>>) offsets(%dma_start3A_60 : memref<128xi32, #tpu.memory_space<vmem>>) semaphore(%run_scoped3A_57 : memref<!tpu.dma_semaphore, #tpu.memory_space<semaphore_mem>>) {add = true}
      %dma_wait3A_64 = arith.constant 0 : i32
      %dma_wait3A_65 = tpu.memref_slice %arg8[%run_scoped3A_48, %dma_wait3A_64] : memref<80x128xi32, #tpu.memory_space<vmem>> -> memref<1x128xi32, #tpu.memory_space<vmem>>
      %dma_wait3A_66 = tpu.memref_squeeze %dma_wait3A_65 : memref<1x128xi32, #tpu.memory_space<vmem>> -> memref<128xi32, #tpu.memory_space<vmem>>
      %dma_wait3A_67 = arith.constant 0 : i32
      %dma_wait3A_68 = arith.constant 0 : i32
      %dma_wait3A_69 = tpu.memref_slice %arg13[%dma_wait3A_67, %dma_wait3A_68] : memref<10112x16xf32, #tpu.memory_space<vmem_shared>> -> memref<10112x16xf32, #tpu.memory_space<vmem_shared>>
      tpu.wait_indirect_dma semaphore(%run_scoped3A_57 : memref<!tpu.dma_semaphore, #tpu.memory_space<semaphore_mem>>) src(%arg10 : memref<128x16xf32, #tpu.memory_space<vmem>>) dst(%dma_wait3A_69 : memref<10112x16xf32, #tpu.memory_space<vmem_shared>>)
      tpu.yield
    }) : () -> ()
    %barrier3A_49 = arith.constant 0 : index
    tpu.barrier barrier_id(%barrier3A_49)
    %eq3A = arith.constant 0 : i32
    %eq3A_50 = arith.cmpi eq, %arg0, %eq3A : i32
    %convert_element_type3A = arith.extui %eq3A_50 : i1 to i32
    %cond3A = arith.constant 0 : i32
    %cond3A_51 = arith.cmpi ne, %convert_element_type3A, %cond3A : i32
    scf.if %cond3A_51 {
      %mul3A_57 = arith.constant 632 : i32
      %mul3A_58 = arith.muli %arg1, %mul3A_57 : i32
      %mul3A_59 = arith.constant 632 : i32
      %mul3A_60 = arith.muli %arg1, %mul3A_59 : i32
      "tpu.region"() ({
        %run_scoped3A_61 = tpu.sem_alloc : memref<!tpu.dma_semaphore, #tpu.memory_space<semaphore_mem>>
        %dma_start3A_62 = arith.constant 0 : i32
        %dma_start3A_63 = tpu.memref_slice %arg5[%mul3A_60, %dma_start3A_62] : memref<10112x16xf32, #tpu.memory_space<hbm>> -> memref<632x16xf32, #tpu.memory_space<hbm>>
        %dma_start3A_64 = arith.constant 0 : i32
        %dma_start3A_65 = tpu.memref_slice %arg13[%mul3A_58, %dma_start3A_64] : memref<10112x16xf32, #tpu.memory_space<vmem_shared>> -> memref<632x16xf32, #tpu.memory_space<vmem_shared>>
        tpu.enqueue_dma source(%dma_start3A_65 : memref<632x16xf32, #tpu.memory_space<vmem_shared>>) target(%dma_start3A_63 : memref<632x16xf32, #tpu.memory_space<hbm>>) target_semaphore(%run_scoped3A_61 : memref<!tpu.dma_semaphore, #tpu.memory_space<semaphore_mem>>)
        %dma_wait3A_66 = arith.constant 0 : i32
        %dma_wait3A_67 = tpu.memref_slice %arg5[%mul3A_60, %dma_wait3A_66] : memref<10112x16xf32, #tpu.memory_space<hbm>> -> memref<632x16xf32, #tpu.memory_space<hbm>>
        %dma_wait3A_68 = arith.constant 0 : i32
        %dma_wait3A_69 = tpu.memref_slice %arg13[%mul3A_58, %dma_wait3A_68] : memref<10112x16xf32, #tpu.memory_space<vmem_shared>> -> memref<632x16xf32, #tpu.memory_space<vmem_shared>>
        tpu.wait_dma2 semaphore(%run_scoped3A_61 : memref<!tpu.dma_semaphore, #tpu.memory_space<semaphore_mem>>) src(%dma_wait3A_69 : memref<632x16xf32, #tpu.memory_space<vmem_shared>>) dst(%dma_wait3A_67 : memref<632x16xf32, #tpu.memory_space<hbm>>)
        tpu.yield
      }) : () -> ()
    } else {
    }
    %eq3A_52 = arith.constant 1 : i32
    %eq3A_53 = arith.cmpi eq, %arg0, %eq3A_52 : i32
    %convert_element_type3A_54 = arith.extui %eq3A_53 : i1 to i32
    %cond3A_55 = arith.constant 0 : i32
    %cond3A_56 = arith.cmpi ne, %convert_element_type3A_54, %cond3A_55 : i32
    scf.if %cond3A_56 {
      %mul3A_57 = arith.constant 632 : i32
      %mul3A_58 = arith.muli %arg1, %mul3A_57 : i32
      %mul3A_59 = arith.constant 632 : i32
      %mul3A_60 = arith.muli %arg1, %mul3A_59 : i32
      "tpu.region"() ({
        %run_scoped3A_61 = tpu.sem_alloc : memref<!tpu.dma_semaphore, #tpu.memory_space<semaphore_mem>>
        %dma_start3A_62 = arith.constant 0 : i32
        %dma_start3A_63 = tpu.memref_slice %arg6[%mul3A_60, %dma_start3A_62] : memref<10112x16xf32, #tpu.memory_space<hbm>> -> memref<632x16xf32, #tpu.memory_space<hbm>>
        %dma_start3A_64 = arith.constant 0 : i32
        %dma_start3A_65 = tpu.memref_slice %arg13[%mul3A_58, %dma_start3A_64] : memref<10112x16xf32, #tpu.memory_space<vmem_shared>> -> memref<632x16xf32, #tpu.memory_space<vmem_shared>>
        tpu.enqueue_dma source(%dma_start3A_65 : memref<632x16xf32, #tpu.memory_space<vmem_shared>>) target(%dma_start3A_63 : memref<632x16xf32, #tpu.memory_space<hbm>>) target_semaphore(%run_scoped3A_61 : memref<!tpu.dma_semaphore, #tpu.memory_space<semaphore_mem>>)
        %dma_wait3A_66 = arith.constant 0 : i32
        %dma_wait3A_67 = tpu.memref_slice %arg6[%mul3A_60, %dma_wait3A_66] : memref<10112x16xf32, #tpu.memory_space<hbm>> -> memref<632x16xf32, #tpu.memory_space<hbm>>
        %dma_wait3A_68 = arith.constant 0 : i32
        %dma_wait3A_69 = tpu.memref_slice %arg13[%mul3A_58, %dma_wait3A_68] : memref<10112x16xf32, #tpu.memory_space<vmem_shared>> -> memref<632x16xf32, #tpu.memory_space<vmem_shared>>
        tpu.wait_dma2 semaphore(%run_scoped3A_61 : memref<!tpu.dma_semaphore, #tpu.memory_space<semaphore_mem>>) src(%dma_wait3A_69 : memref<632x16xf32, #tpu.memory_space<vmem_shared>>) dst(%dma_wait3A_67 : memref<632x16xf32, #tpu.memory_space<hbm>>)
        tpu.yield
      }) : () -> ()
    } else {
    }
    return
  }
}

#map = affine_map<(d0, d1) -> (0, 0)>
module attributes {stable_mosaic.version = 14 : i64} {
  func.func @_sc_degree(%arg0: i32, %arg1: i32, %arg2: memref<2560x128xi32, #tpu.memory_space<hbm>>, %arg3: memref<10112x16xf32, #tpu.memory_space<hbm>>, %arg4: memref<10112x16xf32, #tpu.memory_space<hbm>>, %arg5: memref<80x128xi32, #tpu.memory_space<vmem>>, %arg6: memref<128xf32, #tpu.memory_space<vmem>>, %arg7: memref<640xf32, #tpu.memory_space<vmem>>, %arg8: memref<640x16xf32, #tpu.memory_space<vmem>>, %arg9: memref<10112xf32, #tpu.memory_space<vmem_shared>>) attributes {dimension_semantics = [#tpu.dimension_semantics<core_parallel>, #tpu.dimension_semantics<subcore_parallel>], iteration_bounds = array<i64: 2, 16>, scalar_prefetch = 0 : i64, scratch_operands = 5 : i64, tpu.core_type = #tpu.core_type<sc_vector_subcore>, window_params = [{transform_indices = #map}, {transform_indices = #map}, {transform_indices = #map}]} {
    %mul3A = arith.constant 16 : i32
    %mul3A_0 = arith.muli %arg0, %mul3A : i32
    %add3A = arith.addi %mul3A_0, %arg1 : i32
    %mul3A_1 = arith.constant 80 : i32
    %mul3A_2 = arith.muli %add3A, %mul3A_1 : i32
    "tpu.region"() ({
      %run_scoped3A = tpu.sem_alloc : memref<!tpu.dma_semaphore, #tpu.memory_space<semaphore_mem>>
      %dma_start3A = arith.constant 0 : i32
      %dma_start3A_38 = tpu.memref_slice %arg2[%mul3A_2, %dma_start3A] : memref<2560x128xi32, #tpu.memory_space<hbm>> -> memref<80x128xi32, #tpu.memory_space<hbm>>
      %dma_start3A_39 = arith.constant 0 : i32
      %dma_start3A_40 = tpu.memref_slice %arg2[%mul3A_2, %dma_start3A_39] : memref<2560x128xi32, #tpu.memory_space<hbm>> -> memref<80x128xi32, #tpu.memory_space<hbm>>
      tpu.enqueue_dma source(%dma_start3A_40 : memref<80x128xi32, #tpu.memory_space<hbm>>) target(%arg5 : memref<80x128xi32, #tpu.memory_space<vmem>>) target_semaphore(%run_scoped3A : memref<!tpu.dma_semaphore, #tpu.memory_space<semaphore_mem>>)
      %dma_wait3A = arith.constant 0 : i32
      %dma_wait3A_41 = tpu.memref_slice %arg2[%mul3A_2, %dma_wait3A] : memref<2560x128xi32, #tpu.memory_space<hbm>> -> memref<80x128xi32, #tpu.memory_space<hbm>>
      %dma_wait3A_42 = arith.constant 0 : i32
      %dma_wait3A_43 = tpu.memref_slice %arg2[%mul3A_2, %dma_wait3A_42] : memref<2560x128xi32, #tpu.memory_space<hbm>> -> memref<80x128xi32, #tpu.memory_space<hbm>>
      tpu.wait_dma2 semaphore(%run_scoped3A : memref<!tpu.dma_semaphore, #tpu.memory_space<semaphore_mem>>) src(%dma_wait3A_43 : memref<80x128xi32, #tpu.memory_space<hbm>>) dst(%arg5 : memref<80x128xi32, #tpu.memory_space<vmem>>)
      tpu.yield
    }) : () -> ()
    %scan3A = arith.constant 0 : i32
    %scan3A_3 = arith.constant 0 : i32
    %scan3A_4 = arith.constant 40 : i32
    %scan3A_5 = arith.addi %scan3A_3, %scan3A_4 : i32
    %scan3A_6 = arith.constant 1 : i32
    scf.for %scan3A_38 = %scan3A_3 to %scan3A_5 step %scan3A_6  : i32 {
      %broadcast_in_dim3A = arith.constant 0.000000e+00 : f32
      %broadcast_in_dim3A_39 = vector.broadcast %broadcast_in_dim3A : f32 to vector<16xf32>
      %mul3A_40 = arith.constant 16 : i32
      %mul3A_41 = arith.muli %scan3A_38, %mul3A_40 : i32
      %swap3A = arith.index_cast %mul3A_41 : i32 to index
      %swap3A_42 = tpu.vector_load %arg7[%swap3A] {strides = array<i32>} : memref<640xf32, #tpu.memory_space<vmem>>, vector<16xf32>,
      %swap3A_43 = vector.shape_cast %swap3A_42 : vector<16xf32> to vector<16xf32>
      %swap3A_44 = vector.shape_cast %broadcast_in_dim3A_39 : vector<16xf32> to vector<16xf32>
      tpu.vector_store %arg7[%swap3A], %swap3A_44 {strides = array<i32>} : memref<640xf32, #tpu.memory_space<vmem>>, vector<16xf32>,
    }
    %scan3A_7 = arith.constant 40 : i32
    %scan3A_8 = arith.constant 0 : i32
    %scan3A_9 = arith.constant 0 : i32
    %scan3A_10 = arith.constant 8 : i32
    %scan3A_11 = arith.addi %scan3A_9, %scan3A_10 : i32
    %scan3A_12 = arith.constant 1 : i32
    scf.for %scan3A_38 = %scan3A_9 to %scan3A_11 step %scan3A_12  : i32 {
      %broadcast_in_dim3A = arith.constant 1.000000e+00 : f32
      %broadcast_in_dim3A_39 = vector.broadcast %broadcast_in_dim3A : f32 to vector<16xf32>
      %mul3A_40 = arith.constant 16 : i32
      %mul3A_41 = arith.muli %scan3A_38, %mul3A_40 : i32
      %swap3A = arith.index_cast %mul3A_41 : i32 to index
      %swap3A_42 = tpu.vector_load %arg6[%swap3A] {strides = array<i32>} : memref<128xf32, #tpu.memory_space<vmem>>, vector<16xf32>,
      %swap3A_43 = vector.shape_cast %swap3A_42 : vector<16xf32> to vector<16xf32>
      %swap3A_44 = vector.shape_cast %broadcast_in_dim3A_39 : vector<16xf32> to vector<16xf32>
      tpu.vector_store %arg6[%swap3A], %swap3A_44 {strides = array<i32>} : memref<128xf32, #tpu.memory_space<vmem>>, vector<16xf32>,
    }
    %scan3A_13 = arith.constant 8 : i32
    %mul3A_14 = arith.constant 632 : i32
    %mul3A_15 = arith.muli %arg1, %mul3A_14 : i32
    "tpu.region"() ({
      %run_scoped3A = tpu.sem_alloc : memref<!tpu.dma_semaphore, #tpu.memory_space<semaphore_mem>>
      %dma_start3A = arith.constant 0 : i32
      %dma_start3A_38 = tpu.memref_slice %arg7[%dma_start3A] : memref<640xf32, #tpu.memory_space<vmem>> -> memref<632xf32, #tpu.memory_space<vmem>>
      %dma_start3A_39 = tpu.memref_slice %arg9[%mul3A_15] : memref<10112xf32, #tpu.memory_space<vmem_shared>> -> memref<632xf32, #tpu.memory_space<vmem_shared>>
      %dma_start3A_40 = tpu.memref_slice %arg9[%mul3A_15] : memref<10112xf32, #tpu.memory_space<vmem_shared>> -> memref<632xf32, #tpu.memory_space<vmem_shared>>
      %dma_start3A_41 = arith.constant 0 : i32
      %dma_start3A_42 = tpu.memref_slice %arg7[%dma_start3A_41] : memref<640xf32, #tpu.memory_space<vmem>> -> memref<632xf32, #tpu.memory_space<vmem>>
      tpu.enqueue_dma source(%dma_start3A_42 : memref<632xf32, #tpu.memory_space<vmem>>) target(%dma_start3A_40 : memref<632xf32, #tpu.memory_space<vmem_shared>>) target_semaphore(%run_scoped3A : memref<!tpu.dma_semaphore, #tpu.memory_space<semaphore_mem>>)
      %dma_wait3A = arith.constant 0 : i32
      %dma_wait3A_43 = tpu.memref_slice %arg7[%dma_wait3A] : memref<640xf32, #tpu.memory_space<vmem>> -> memref<632xf32, #tpu.memory_space<vmem>>
      %dma_wait3A_44 = tpu.memref_slice %arg9[%mul3A_15] : memref<10112xf32, #tpu.memory_space<vmem_shared>> -> memref<632xf32, #tpu.memory_space<vmem_shared>>
      %dma_wait3A_45 = tpu.memref_slice %arg9[%mul3A_15] : memref<10112xf32, #tpu.memory_space<vmem_shared>> -> memref<632xf32, #tpu.memory_space<vmem_shared>>
      %dma_wait3A_46 = arith.constant 0 : i32
      %dma_wait3A_47 = tpu.memref_slice %arg7[%dma_wait3A_46] : memref<640xf32, #tpu.memory_space<vmem>> -> memref<632xf32, #tpu.memory_space<vmem>>
      tpu.wait_dma2 semaphore(%run_scoped3A : memref<!tpu.dma_semaphore, #tpu.memory_space<semaphore_mem>>) src(%dma_wait3A_47 : memref<632xf32, #tpu.memory_space<vmem>>) dst(%dma_wait3A_45 : memref<632xf32, #tpu.memory_space<vmem_shared>>)
      tpu.yield
    }) : () -> ()
    %barrier3A = arith.constant 0 : index
    tpu.barrier barrier_id(%barrier3A)
    %scan3A_16 = arith.constant 0 : i32
    %scan3A_17 = arith.constant 0 : i32
    %scan3A_18 = arith.constant 80 : i32
    %scan3A_19 = arith.addi %scan3A_17, %scan3A_18 : i32
    %scan3A_20 = arith.constant 1 : i32
    scf.for %scan3A_38 = %scan3A_17 to %scan3A_19 step %scan3A_20  : i32 {
      "tpu.region"() ({
        %run_scoped3A = tpu.sem_alloc : memref<!tpu.dma_semaphore, #tpu.memory_space<semaphore_mem>>
        %dma_start3A = arith.constant 0 : i32
        %dma_start3A_39 = tpu.memref_slice %arg5[%scan3A_38, %dma_start3A] : memref<80x128xi32, #tpu.memory_space<vmem>> -> memref<1x128xi32, #tpu.memory_space<vmem>>
        %dma_start3A_40 = tpu.memref_squeeze %dma_start3A_39 : memref<1x128xi32, #tpu.memory_space<vmem>> -> memref<128xi32, #tpu.memory_space<vmem>>
        %dma_start3A_41 = arith.constant 0 : i32
        %dma_start3A_42 = tpu.memref_slice %arg9[%dma_start3A_41] : memref<10112xf32, #tpu.memory_space<vmem_shared>> -> memref<10112xf32, #tpu.memory_space<vmem_shared>>
        tpu.enqueue_indirect_dma source(%arg6 : memref<128xf32, #tpu.memory_space<vmem>>) target(%dma_start3A_42 : memref<10112xf32, #tpu.memory_space<vmem_shared>>) offsets(%dma_start3A_40 : memref<128xi32, #tpu.memory_space<vmem>>) semaphore(%run_scoped3A : memref<!tpu.dma_semaphore, #tpu.memory_space<semaphore_mem>>) {add = true}
        %dma_wait3A = arith.constant 0 : i32
        %dma_wait3A_43 = tpu.memref_slice %arg5[%scan3A_38, %dma_wait3A] : memref<80x128xi32, #tpu.memory_space<vmem>> -> memref<1x128xi32, #tpu.memory_space<vmem>>
        %dma_wait3A_44 = tpu.memref_squeeze %dma_wait3A_43 : memref<1x128xi32, #tpu.memory_space<vmem>> -> memref<128xi32, #tpu.memory_space<vmem>>
        %dma_wait3A_45 = arith.constant 0 : i32
        %dma_wait3A_46 = tpu.memref_slice %arg9[%dma_wait3A_45] : memref<10112xf32, #tpu.memory_space<vmem_shared>> -> memref<10112xf32, #tpu.memory_space<vmem_shared>>
        tpu.wait_indirect_dma semaphore(%run_scoped3A : memref<!tpu.dma_semaphore, #tpu.memory_space<semaphore_mem>>) src(%arg6 : memref<128xf32, #tpu.memory_space<vmem>>) dst(%dma_wait3A_46 : memref<10112xf32, #tpu.memory_space<vmem_shared>>)
        tpu.yield
      }) : () -> ()
    }
    %scan3A_21 = arith.constant 80 : i32
    %barrier3A_22 = arith.constant 0 : index
    tpu.barrier barrier_id(%barrier3A_22)
    %mul3A_23 = arith.constant 632 : i32
    %mul3A_24 = arith.muli %arg1, %mul3A_23 : i32
    "tpu.region"() ({
      %run_scoped3A = tpu.sem_alloc : memref<!tpu.dma_semaphore, #tpu.memory_space<semaphore_mem>>
      %dma_start3A = arith.constant 0 : i32
      %dma_start3A_38 = tpu.memref_slice %arg7[%dma_start3A] : memref<640xf32, #tpu.memory_space<vmem>> -> memref<632xf32, #tpu.memory_space<vmem>>
      %dma_start3A_39 = tpu.memref_slice %arg9[%mul3A_24] : memref<10112xf32, #tpu.memory_space<vmem_shared>> -> memref<632xf32, #tpu.memory_space<vmem_shared>>
      %dma_start3A_40 = arith.constant 0 : i32
      %dma_start3A_41 = tpu.memref_slice %arg7[%dma_start3A_40] : memref<640xf32, #tpu.memory_space<vmem>> -> memref<632xf32, #tpu.memory_space<vmem>>
      %dma_start3A_42 = tpu.memref_slice %arg9[%mul3A_24] : memref<10112xf32, #tpu.memory_space<vmem_shared>> -> memref<632xf32, #tpu.memory_space<vmem_shared>>
      tpu.enqueue_dma source(%dma_start3A_42 : memref<632xf32, #tpu.memory_space<vmem_shared>>) target(%dma_start3A_41 : memref<632xf32, #tpu.memory_space<vmem>>) target_semaphore(%run_scoped3A : memref<!tpu.dma_semaphore, #tpu.memory_space<semaphore_mem>>)
      %dma_wait3A = arith.constant 0 : i32
      %dma_wait3A_43 = tpu.memref_slice %arg7[%dma_wait3A] : memref<640xf32, #tpu.memory_space<vmem>> -> memref<632xf32, #tpu.memory_space<vmem>>
      %dma_wait3A_44 = tpu.memref_slice %arg9[%mul3A_24] : memref<10112xf32, #tpu.memory_space<vmem_shared>> -> memref<632xf32, #tpu.memory_space<vmem_shared>>
      %dma_wait3A_45 = arith.constant 0 : i32
      %dma_wait3A_46 = tpu.memref_slice %arg7[%dma_wait3A_45] : memref<640xf32, #tpu.memory_space<vmem>> -> memref<632xf32, #tpu.memory_space<vmem>>
      %dma_wait3A_47 = tpu.memref_slice %arg9[%mul3A_24] : memref<10112xf32, #tpu.memory_space<vmem_shared>> -> memref<632xf32, #tpu.memory_space<vmem_shared>>
      tpu.wait_dma2 semaphore(%run_scoped3A : memref<!tpu.dma_semaphore, #tpu.memory_space<semaphore_mem>>) src(%dma_wait3A_47 : memref<632xf32, #tpu.memory_space<vmem_shared>>) dst(%dma_wait3A_46 : memref<632xf32, #tpu.memory_space<vmem>>)
      tpu.yield
    }) : () -> ()
    %scan3A_25 = arith.constant 0 : i32
    %scan3A_26 = arith.constant 0 : i32
    %scan3A_27 = arith.constant 40 : i32
    %scan3A_28 = arith.addi %scan3A_26, %scan3A_27 : i32
    %scan3A_29 = arith.constant 1 : i32
    scf.for %scan3A_38 = %scan3A_26 to %scan3A_28 step %scan3A_29  : i32 {
      %mul3A_39 = arith.constant 16 : i32
      %mul3A_40 = arith.muli %scan3A_38, %mul3A_39 : i32
      %get3A = arith.index_cast %mul3A_40 : i32 to index
      %get3A_41 = tpu.vector_load %arg7[%get3A] {strides = array<i32>} : memref<640xf32, #tpu.memory_space<vmem>>, vector<16xf32>,
      %get3A_42 = vector.shape_cast %get3A_41 : vector<16xf32> to vector<16xf32>
      %slice3A = vector.extract_strided_slice %get3A_42 {offsets = [0], sizes = [1], strides = [1]} : vector<16xf32> to vector<1xf32>
      %squeeze3A = vector.extract %slice3A[0] : f32 from vector<1xf32>
      %broadcast_in_dim3A = vector.broadcast %squeeze3A : f32 to vector<16xf32>
      %mul3A_43 = arith.constant 16 : i32
      %mul3A_44 = arith.muli %scan3A_38, %mul3A_43 : i32
      %add3A_45 = arith.constant 0 : i32
      %add3A_46 = arith.addi %mul3A_44, %add3A_45 : i32
      %swap3A = arith.index_cast %add3A_46 : i32 to index
      %swap3A_47 = arith.constant 0 : index
      %swap3A_48 = tpu.vector_load %arg8[%swap3A, %swap3A_47] {strides = array<i32>} : memref<640x16xf32, #tpu.memory_space<vmem>>, vector<1x16xf32>,
      %swap3A_49 = vector.shape_cast %swap3A_48 : vector<1x16xf32> to vector<16xf32>
      %swap3A_50 = vector.shape_cast %broadcast_in_dim3A : vector<16xf32> to vector<1x16xf32>
      tpu.vector_store %arg8[%swap3A, %swap3A_47], %swap3A_50 {strides = array<i32>} : memref<640x16xf32, #tpu.memory_space<vmem>>, vector<1x16xf32>,
      %slice3A_51 = vector.extract_strided_slice %get3A_42 {offsets = [1], sizes = [1], strides = [1]} : vector<16xf32> to vector<1xf32>
      %squeeze3A_52 = vector.extract %slice3A_51[0] : f32 from vector<1xf32>
      %broadcast_in_dim3A_53 = vector.broadcast %squeeze3A_52 : f32 to vector<16xf32>
      %mul3A_54 = arith.constant 16 : i32
      %mul3A_55 = arith.muli %scan3A_38, %mul3A_54 : i32
      %add3A_56 = arith.constant 1 : i32
      %add3A_57 = arith.addi %mul3A_55, %add3A_56 : i32
      %swap3A_58 = arith.index_cast %add3A_57 : i32 to index
      %swap3A_59 = arith.constant 0 : index
      %swap3A_60 = tpu.vector_load %arg8[%swap3A_58, %swap3A_59] {strides = array<i32>} : memref<640x16xf32, #tpu.memory_space<vmem>>, vector<1x16xf32>,
      %swap3A_61 = vector.shape_cast %swap3A_60 : vector<1x16xf32> to vector<16xf32>
      %swap3A_62 = vector.shape_cast %broadcast_in_dim3A_53 : vector<16xf32> to vector<1x16xf32>
      tpu.vector_store %arg8[%swap3A_58, %swap3A_59], %swap3A_62 {strides = array<i32>} : memref<640x16xf32, #tpu.memory_space<vmem>>, vector<1x16xf32>,
      %slice3A_63 = vector.extract_strided_slice %get3A_42 {offsets = [2], sizes = [1], strides = [1]} : vector<16xf32> to vector<1xf32>
      %squeeze3A_64 = vector.extract %slice3A_63[0] : f32 from vector<1xf32>
      %broadcast_in_dim3A_65 = vector.broadcast %squeeze3A_64 : f32 to vector<16xf32>
      %mul3A_66 = arith.constant 16 : i32
      %mul3A_67 = arith.muli %scan3A_38, %mul3A_66 : i32
      %add3A_68 = arith.constant 2 : i32
      %add3A_69 = arith.addi %mul3A_67, %add3A_68 : i32
      %swap3A_70 = arith.index_cast %add3A_69 : i32 to index
      %swap3A_71 = arith.constant 0 : index
      %swap3A_72 = tpu.vector_load %arg8[%swap3A_70, %swap3A_71] {strides = array<i32>} : memref<640x16xf32, #tpu.memory_space<vmem>>, vector<1x16xf32>,
      %swap3A_73 = vector.shape_cast %swap3A_72 : vector<1x16xf32> to vector<16xf32>
      %swap3A_74 = vector.shape_cast %broadcast_in_dim3A_65 : vector<16xf32> to vector<1x16xf32>
      tpu.vector_store %arg8[%swap3A_70, %swap3A_71], %swap3A_74 {strides = array<i32>} : memref<640x16xf32, #tpu.memory_space<vmem>>, vector<1x16xf32>,
      %slice3A_75 = vector.extract_strided_slice %get3A_42 {offsets = [3], sizes = [1], strides = [1]} : vector<16xf32> to vector<1xf32>
      %squeeze3A_76 = vector.extract %slice3A_75[0] : f32 from vector<1xf32>
      %broadcast_in_dim3A_77 = vector.broadcast %squeeze3A_76 : f32 to vector<16xf32>
      %mul3A_78 = arith.constant 16 : i32
      %mul3A_79 = arith.muli %scan3A_38, %mul3A_78 : i32
      %add3A_80 = arith.constant 3 : i32
      %add3A_81 = arith.addi %mul3A_79, %add3A_80 : i32
      %swap3A_82 = arith.index_cast %add3A_81 : i32 to index
      %swap3A_83 = arith.constant 0 : index
      %swap3A_84 = tpu.vector_load %arg8[%swap3A_82, %swap3A_83] {strides = array<i32>} : memref<640x16xf32, #tpu.memory_space<vmem>>, vector<1x16xf32>,
      %swap3A_85 = vector.shape_cast %swap3A_84 : vector<1x16xf32> to vector<16xf32>
      %swap3A_86 = vector.shape_cast %broadcast_in_dim3A_77 : vector<16xf32> to vector<1x16xf32>
      tpu.vector_store %arg8[%swap3A_82, %swap3A_83], %swap3A_86 {strides = array<i32>} : memref<640x16xf32, #tpu.memory_space<vmem>>, vector<1x16xf32>,
      %slice3A_87 = vector.extract_strided_slice %get3A_42 {offsets = [4], sizes = [1], strides = [1]} : vector<16xf32> to vector<1xf32>
      %squeeze3A_88 = vector.extract %slice3A_87[0] : f32 from vector<1xf32>
      %broadcast_in_dim3A_89 = vector.broadcast %squeeze3A_88 : f32 to vector<16xf32>
      %mul3A_90 = arith.constant 16 : i32
      %mul3A_91 = arith.muli %scan3A_38, %mul3A_90 : i32
      %add3A_92 = arith.constant 4 : i32
      %add3A_93 = arith.addi %mul3A_91, %add3A_92 : i32
      %swap3A_94 = arith.index_cast %add3A_93 : i32 to index
      %swap3A_95 = arith.constant 0 : index
      %swap3A_96 = tpu.vector_load %arg8[%swap3A_94, %swap3A_95] {strides = array<i32>} : memref<640x16xf32, #tpu.memory_space<vmem>>, vector<1x16xf32>,
      %swap3A_97 = vector.shape_cast %swap3A_96 : vector<1x16xf32> to vector<16xf32>
      %swap3A_98 = vector.shape_cast %broadcast_in_dim3A_89 : vector<16xf32> to vector<1x16xf32>
      tpu.vector_store %arg8[%swap3A_94, %swap3A_95], %swap3A_98 {strides = array<i32>} : memref<640x16xf32, #tpu.memory_space<vmem>>, vector<1x16xf32>,
      %slice3A_99 = vector.extract_strided_slice %get3A_42 {offsets = [5], sizes = [1], strides = [1]} : vector<16xf32> to vector<1xf32>
      %squeeze3A_100 = vector.extract %slice3A_99[0] : f32 from vector<1xf32>
      %broadcast_in_dim3A_101 = vector.broadcast %squeeze3A_100 : f32 to vector<16xf32>
      %mul3A_102 = arith.constant 16 : i32
      %mul3A_103 = arith.muli %scan3A_38, %mul3A_102 : i32
      %add3A_104 = arith.constant 5 : i32
      %add3A_105 = arith.addi %mul3A_103, %add3A_104 : i32
      %swap3A_106 = arith.index_cast %add3A_105 : i32 to index
      %swap3A_107 = arith.constant 0 : index
      %swap3A_108 = tpu.vector_load %arg8[%swap3A_106, %swap3A_107] {strides = array<i32>} : memref<640x16xf32, #tpu.memory_space<vmem>>, vector<1x16xf32>,
      %swap3A_109 = vector.shape_cast %swap3A_108 : vector<1x16xf32> to vector<16xf32>
      %swap3A_110 = vector.shape_cast %broadcast_in_dim3A_101 : vector<16xf32> to vector<1x16xf32>
      tpu.vector_store %arg8[%swap3A_106, %swap3A_107], %swap3A_110 {strides = array<i32>} : memref<640x16xf32, #tpu.memory_space<vmem>>, vector<1x16xf32>,
      %slice3A_111 = vector.extract_strided_slice %get3A_42 {offsets = [6], sizes = [1], strides = [1]} : vector<16xf32> to vector<1xf32>
      %squeeze3A_112 = vector.extract %slice3A_111[0] : f32 from vector<1xf32>
      %broadcast_in_dim3A_113 = vector.broadcast %squeeze3A_112 : f32 to vector<16xf32>
      %mul3A_114 = arith.constant 16 : i32
      %mul3A_115 = arith.muli %scan3A_38, %mul3A_114 : i32
      %add3A_116 = arith.constant 6 : i32
      %add3A_117 = arith.addi %mul3A_115, %add3A_116 : i32
      %swap3A_118 = arith.index_cast %add3A_117 : i32 to index
      %swap3A_119 = arith.constant 0 : index
      %swap3A_120 = tpu.vector_load %arg8[%swap3A_118, %swap3A_119] {strides = array<i32>} : memref<640x16xf32, #tpu.memory_space<vmem>>, vector<1x16xf32>,
      %swap3A_121 = vector.shape_cast %swap3A_120 : vector<1x16xf32> to vector<16xf32>
      %swap3A_122 = vector.shape_cast %broadcast_in_dim3A_113 : vector<16xf32> to vector<1x16xf32>
      tpu.vector_store %arg8[%swap3A_118, %swap3A_119], %swap3A_122 {strides = array<i32>} : memref<640x16xf32, #tpu.memory_space<vmem>>, vector<1x16xf32>,
      %slice3A_123 = vector.extract_strided_slice %get3A_42 {offsets = [7], sizes = [1], strides = [1]} : vector<16xf32> to vector<1xf32>
      %squeeze3A_124 = vector.extract %slice3A_123[0] : f32 from vector<1xf32>
      %broadcast_in_dim3A_125 = vector.broadcast %squeeze3A_124 : f32 to vector<16xf32>
      %mul3A_126 = arith.constant 16 : i32
      %mul3A_127 = arith.muli %scan3A_38, %mul3A_126 : i32
      %add3A_128 = arith.constant 7 : i32
      %add3A_129 = arith.addi %mul3A_127, %add3A_128 : i32
      %swap3A_130 = arith.index_cast %add3A_129 : i32 to index
      %swap3A_131 = arith.constant 0 : index
      %swap3A_132 = tpu.vector_load %arg8[%swap3A_130, %swap3A_131] {strides = array<i32>} : memref<640x16xf32, #tpu.memory_space<vmem>>, vector<1x16xf32>,
      %swap3A_133 = vector.shape_cast %swap3A_132 : vector<1x16xf32> to vector<16xf32>
      %swap3A_134 = vector.shape_cast %broadcast_in_dim3A_125 : vector<16xf32> to vector<1x16xf32>
      tpu.vector_store %arg8[%swap3A_130, %swap3A_131], %swap3A_134 {strides = array<i32>} : memref<640x16xf32, #tpu.memory_space<vmem>>, vector<1x16xf32>,
      %slice3A_135 = vector.extract_strided_slice %get3A_42 {offsets = [8], sizes = [1], strides = [1]} : vector<16xf32> to vector<1xf32>
      %squeeze3A_136 = vector.extract %slice3A_135[0] : f32 from vector<1xf32>
      %broadcast_in_dim3A_137 = vector.broadcast %squeeze3A_136 : f32 to vector<16xf32>
      %mul3A_138 = arith.constant 16 : i32
      %mul3A_139 = arith.muli %scan3A_38, %mul3A_138 : i32
      %add3A_140 = arith.constant 8 : i32
      %add3A_141 = arith.addi %mul3A_139, %add3A_140 : i32
      %swap3A_142 = arith.index_cast %add3A_141 : i32 to index
      %swap3A_143 = arith.constant 0 : index
      %swap3A_144 = tpu.vector_load %arg8[%swap3A_142, %swap3A_143] {strides = array<i32>} : memref<640x16xf32, #tpu.memory_space<vmem>>, vector<1x16xf32>,
      %swap3A_145 = vector.shape_cast %swap3A_144 : vector<1x16xf32> to vector<16xf32>
      %swap3A_146 = vector.shape_cast %broadcast_in_dim3A_137 : vector<16xf32> to vector<1x16xf32>
      tpu.vector_store %arg8[%swap3A_142, %swap3A_143], %swap3A_146 {strides = array<i32>} : memref<640x16xf32, #tpu.memory_space<vmem>>, vector<1x16xf32>,
      %slice3A_147 = vector.extract_strided_slice %get3A_42 {offsets = [9], sizes = [1], strides = [1]} : vector<16xf32> to vector<1xf32>
      %squeeze3A_148 = vector.extract %slice3A_147[0] : f32 from vector<1xf32>
      %broadcast_in_dim3A_149 = vector.broadcast %squeeze3A_148 : f32 to vector<16xf32>
      %mul3A_150 = arith.constant 16 : i32
      %mul3A_151 = arith.muli %scan3A_38, %mul3A_150 : i32
      %add3A_152 = arith.constant 9 : i32
      %add3A_153 = arith.addi %mul3A_151, %add3A_152 : i32
      %swap3A_154 = arith.index_cast %add3A_153 : i32 to index
      %swap3A_155 = arith.constant 0 : index
      %swap3A_156 = tpu.vector_load %arg8[%swap3A_154, %swap3A_155] {strides = array<i32>} : memref<640x16xf32, #tpu.memory_space<vmem>>, vector<1x16xf32>,
      %swap3A_157 = vector.shape_cast %swap3A_156 : vector<1x16xf32> to vector<16xf32>
      %swap3A_158 = vector.shape_cast %broadcast_in_dim3A_149 : vector<16xf32> to vector<1x16xf32>
      tpu.vector_store %arg8[%swap3A_154, %swap3A_155], %swap3A_158 {strides = array<i32>} : memref<640x16xf32, #tpu.memory_space<vmem>>, vector<1x16xf32>,
      %slice3A_159 = vector.extract_strided_slice %get3A_42 {offsets = [10], sizes = [1], strides = [1]} : vector<16xf32> to vector<1xf32>
      %squeeze3A_160 = vector.extract %slice3A_159[0] : f32 from vector<1xf32>
      %broadcast_in_dim3A_161 = vector.broadcast %squeeze3A_160 : f32 to vector<16xf32>
      %mul3A_162 = arith.constant 16 : i32
      %mul3A_163 = arith.muli %scan3A_38, %mul3A_162 : i32
      %add3A_164 = arith.constant 10 : i32
      %add3A_165 = arith.addi %mul3A_163, %add3A_164 : i32
      %swap3A_166 = arith.index_cast %add3A_165 : i32 to index
      %swap3A_167 = arith.constant 0 : index
      %swap3A_168 = tpu.vector_load %arg8[%swap3A_166, %swap3A_167] {strides = array<i32>} : memref<640x16xf32, #tpu.memory_space<vmem>>, vector<1x16xf32>,
      %swap3A_169 = vector.shape_cast %swap3A_168 : vector<1x16xf32> to vector<16xf32>
      %swap3A_170 = vector.shape_cast %broadcast_in_dim3A_161 : vector<16xf32> to vector<1x16xf32>
      tpu.vector_store %arg8[%swap3A_166, %swap3A_167], %swap3A_170 {strides = array<i32>} : memref<640x16xf32, #tpu.memory_space<vmem>>, vector<1x16xf32>,
      %slice3A_171 = vector.extract_strided_slice %get3A_42 {offsets = [11], sizes = [1], strides = [1]} : vector<16xf32> to vector<1xf32>
      %squeeze3A_172 = vector.extract %slice3A_171[0] : f32 from vector<1xf32>
      %broadcast_in_dim3A_173 = vector.broadcast %squeeze3A_172 : f32 to vector<16xf32>
      %mul3A_174 = arith.constant 16 : i32
      %mul3A_175 = arith.muli %scan3A_38, %mul3A_174 : i32
      %add3A_176 = arith.constant 11 : i32
      %add3A_177 = arith.addi %mul3A_175, %add3A_176 : i32
      %swap3A_178 = arith.index_cast %add3A_177 : i32 to index
      %swap3A_179 = arith.constant 0 : index
      %swap3A_180 = tpu.vector_load %arg8[%swap3A_178, %swap3A_179] {strides = array<i32>} : memref<640x16xf32, #tpu.memory_space<vmem>>, vector<1x16xf32>,
      %swap3A_181 = vector.shape_cast %swap3A_180 : vector<1x16xf32> to vector<16xf32>
      %swap3A_182 = vector.shape_cast %broadcast_in_dim3A_173 : vector<16xf32> to vector<1x16xf32>
      tpu.vector_store %arg8[%swap3A_178, %swap3A_179], %swap3A_182 {strides = array<i32>} : memref<640x16xf32, #tpu.memory_space<vmem>>, vector<1x16xf32>,
      %slice3A_183 = vector.extract_strided_slice %get3A_42 {offsets = [12], sizes = [1], strides = [1]} : vector<16xf32> to vector<1xf32>
      %squeeze3A_184 = vector.extract %slice3A_183[0] : f32 from vector<1xf32>
      %broadcast_in_dim3A_185 = vector.broadcast %squeeze3A_184 : f32 to vector<16xf32>
      %mul3A_186 = arith.constant 16 : i32
      %mul3A_187 = arith.muli %scan3A_38, %mul3A_186 : i32
      %add3A_188 = arith.constant 12 : i32
      %add3A_189 = arith.addi %mul3A_187, %add3A_188 : i32
      %swap3A_190 = arith.index_cast %add3A_189 : i32 to index
      %swap3A_191 = arith.constant 0 : index
      %swap3A_192 = tpu.vector_load %arg8[%swap3A_190, %swap3A_191] {strides = array<i32>} : memref<640x16xf32, #tpu.memory_space<vmem>>, vector<1x16xf32>,
      %swap3A_193 = vector.shape_cast %swap3A_192 : vector<1x16xf32> to vector<16xf32>
      %swap3A_194 = vector.shape_cast %broadcast_in_dim3A_185 : vector<16xf32> to vector<1x16xf32>
      tpu.vector_store %arg8[%swap3A_190, %swap3A_191], %swap3A_194 {strides = array<i32>} : memref<640x16xf32, #tpu.memory_space<vmem>>, vector<1x16xf32>,
      %slice3A_195 = vector.extract_strided_slice %get3A_42 {offsets = [13], sizes = [1], strides = [1]} : vector<16xf32> to vector<1xf32>
      %squeeze3A_196 = vector.extract %slice3A_195[0] : f32 from vector<1xf32>
      %broadcast_in_dim3A_197 = vector.broadcast %squeeze3A_196 : f32 to vector<16xf32>
      %mul3A_198 = arith.constant 16 : i32
      %mul3A_199 = arith.muli %scan3A_38, %mul3A_198 : i32
      %add3A_200 = arith.constant 13 : i32
      %add3A_201 = arith.addi %mul3A_199, %add3A_200 : i32
      %swap3A_202 = arith.index_cast %add3A_201 : i32 to index
      %swap3A_203 = arith.constant 0 : index
      %swap3A_204 = tpu.vector_load %arg8[%swap3A_202, %swap3A_203] {strides = array<i32>} : memref<640x16xf32, #tpu.memory_space<vmem>>, vector<1x16xf32>,
      %swap3A_205 = vector.shape_cast %swap3A_204 : vector<1x16xf32> to vector<16xf32>
      %swap3A_206 = vector.shape_cast %broadcast_in_dim3A_197 : vector<16xf32> to vector<1x16xf32>
      tpu.vector_store %arg8[%swap3A_202, %swap3A_203], %swap3A_206 {strides = array<i32>} : memref<640x16xf32, #tpu.memory_space<vmem>>, vector<1x16xf32>,
      %slice3A_207 = vector.extract_strided_slice %get3A_42 {offsets = [14], sizes = [1], strides = [1]} : vector<16xf32> to vector<1xf32>
      %squeeze3A_208 = vector.extract %slice3A_207[0] : f32 from vector<1xf32>
      %broadcast_in_dim3A_209 = vector.broadcast %squeeze3A_208 : f32 to vector<16xf32>
      %mul3A_210 = arith.constant 16 : i32
      %mul3A_211 = arith.muli %scan3A_38, %mul3A_210 : i32
      %add3A_212 = arith.constant 14 : i32
      %add3A_213 = arith.addi %mul3A_211, %add3A_212 : i32
      %swap3A_214 = arith.index_cast %add3A_213 : i32 to index
      %swap3A_215 = arith.constant 0 : index
      %swap3A_216 = tpu.vector_load %arg8[%swap3A_214, %swap3A_215] {strides = array<i32>} : memref<640x16xf32, #tpu.memory_space<vmem>>, vector<1x16xf32>,
      %swap3A_217 = vector.shape_cast %swap3A_216 : vector<1x16xf32> to vector<16xf32>
      %swap3A_218 = vector.shape_cast %broadcast_in_dim3A_209 : vector<16xf32> to vector<1x16xf32>
      tpu.vector_store %arg8[%swap3A_214, %swap3A_215], %swap3A_218 {strides = array<i32>} : memref<640x16xf32, #tpu.memory_space<vmem>>, vector<1x16xf32>,
      %slice3A_219 = vector.extract_strided_slice %get3A_42 {offsets = [15], sizes = [1], strides = [1]} : vector<16xf32> to vector<1xf32>
      %squeeze3A_220 = vector.extract %slice3A_219[0] : f32 from vector<1xf32>
      %broadcast_in_dim3A_221 = vector.broadcast %squeeze3A_220 : f32 to vector<16xf32>
      %mul3A_222 = arith.constant 16 : i32
      %mul3A_223 = arith.muli %scan3A_38, %mul3A_222 : i32
      %add3A_224 = arith.constant 15 : i32
      %add3A_225 = arith.addi %mul3A_223, %add3A_224 : i32
      %swap3A_226 = arith.index_cast %add3A_225 : i32 to index
      %swap3A_227 = arith.constant 0 : index
      %swap3A_228 = tpu.vector_load %arg8[%swap3A_226, %swap3A_227] {strides = array<i32>} : memref<640x16xf32, #tpu.memory_space<vmem>>, vector<1x16xf32>,
      %swap3A_229 = vector.shape_cast %swap3A_228 : vector<1x16xf32> to vector<16xf32>
      %swap3A_230 = vector.shape_cast %broadcast_in_dim3A_221 : vector<16xf32> to vector<1x16xf32>
      tpu.vector_store %arg8[%swap3A_226, %swap3A_227], %swap3A_230 {strides = array<i32>} : memref<640x16xf32, #tpu.memory_space<vmem>>, vector<1x16xf32>,
    }
    %scan3A_30 = arith.constant 40 : i32
    %eq3A = arith.constant 0 : i32
    %eq3A_31 = arith.cmpi eq, %arg0, %eq3A : i32
    %convert_element_type3A = arith.extui %eq3A_31 : i1 to i32
    %cond3A = arith.constant 0 : i32
    %cond3A_32 = arith.cmpi ne, %convert_element_type3A, %cond3A : i32
    scf.if %cond3A_32 {
      %mul3A_38 = arith.constant 632 : i32
      %mul3A_39 = arith.muli %arg1, %mul3A_38 : i32
      "tpu.region"() ({
        %run_scoped3A = tpu.sem_alloc : memref<!tpu.dma_semaphore, #tpu.memory_space<semaphore_mem>>
        %dma_start3A = arith.constant 0 : i32
        %dma_start3A_40 = arith.constant 0 : i32
        %dma_start3A_41 = tpu.memref_slice %arg8[%dma_start3A, %dma_start3A_40] : memref<640x16xf32, #tpu.memory_space<vmem>> -> memref<632x16xf32, #tpu.memory_space<vmem>>
        %dma_start3A_42 = arith.constant 0 : i32
        %dma_start3A_43 = tpu.memref_slice %arg3[%mul3A_39, %dma_start3A_42] : memref<10112x16xf32, #tpu.memory_space<hbm>> -> memref<632x16xf32, #tpu.memory_space<hbm>>
        %dma_start3A_44 = arith.constant 0 : i32
        %dma_start3A_45 = tpu.memref_slice %arg3[%mul3A_39, %dma_start3A_44] : memref<10112x16xf32, #tpu.memory_space<hbm>> -> memref<632x16xf32, #tpu.memory_space<hbm>>
        %dma_start3A_46 = arith.constant 0 : i32
        %dma_start3A_47 = arith.constant 0 : i32
        %dma_start3A_48 = tpu.memref_slice %arg8[%dma_start3A_46, %dma_start3A_47] : memref<640x16xf32, #tpu.memory_space<vmem>> -> memref<632x16xf32, #tpu.memory_space<vmem>>
        tpu.enqueue_dma source(%dma_start3A_48 : memref<632x16xf32, #tpu.memory_space<vmem>>) target(%dma_start3A_45 : memref<632x16xf32, #tpu.memory_space<hbm>>) target_semaphore(%run_scoped3A : memref<!tpu.dma_semaphore, #tpu.memory_space<semaphore_mem>>)
        %dma_wait3A = arith.constant 0 : i32
        %dma_wait3A_49 = arith.constant 0 : i32
        %dma_wait3A_50 = tpu.memref_slice %arg8[%dma_wait3A, %dma_wait3A_49] : memref<640x16xf32, #tpu.memory_space<vmem>> -> memref<632x16xf32, #tpu.memory_space<vmem>>
        %dma_wait3A_51 = arith.constant 0 : i32
        %dma_wait3A_52 = tpu.memref_slice %arg3[%mul3A_39, %dma_wait3A_51] : memref<10112x16xf32, #tpu.memory_space<hbm>> -> memref<632x16xf32, #tpu.memory_space<hbm>>
        %dma_wait3A_53 = arith.constant 0 : i32
        %dma_wait3A_54 = tpu.memref_slice %arg3[%mul3A_39, %dma_wait3A_53] : memref<10112x16xf32, #tpu.memory_space<hbm>> -> memref<632x16xf32, #tpu.memory_space<hbm>>
        %dma_wait3A_55 = arith.constant 0 : i32
        %dma_wait3A_56 = arith.constant 0 : i32
        %dma_wait3A_57 = tpu.memref_slice %arg8[%dma_wait3A_55, %dma_wait3A_56] : memref<640x16xf32, #tpu.memory_space<vmem>> -> memref<632x16xf32, #tpu.memory_space<vmem>>
        tpu.wait_dma2 semaphore(%run_scoped3A : memref<!tpu.dma_semaphore, #tpu.memory_space<semaphore_mem>>) src(%dma_wait3A_57 : memref<632x16xf32, #tpu.memory_space<vmem>>) dst(%dma_wait3A_54 : memref<632x16xf32, #tpu.memory_space<hbm>>)
        tpu.yield
      }) : () -> ()
    } else {
    }
    %eq3A_33 = arith.constant 1 : i32
    %eq3A_34 = arith.cmpi eq, %arg0, %eq3A_33 : i32
    %convert_element_type3A_35 = arith.extui %eq3A_34 : i1 to i32
    %cond3A_36 = arith.constant 0 : i32
    %cond3A_37 = arith.cmpi ne, %convert_element_type3A_35, %cond3A_36 : i32
    scf.if %cond3A_37 {
      %mul3A_38 = arith.constant 632 : i32
      %mul3A_39 = arith.muli %arg1, %mul3A_38 : i32
      "tpu.region"() ({
        %run_scoped3A = tpu.sem_alloc : memref<!tpu.dma_semaphore, #tpu.memory_space<semaphore_mem>>
        %dma_start3A = arith.constant 0 : i32
        %dma_start3A_40 = arith.constant 0 : i32
        %dma_start3A_41 = tpu.memref_slice %arg8[%dma_start3A, %dma_start3A_40] : memref<640x16xf32, #tpu.memory_space<vmem>> -> memref<632x16xf32, #tpu.memory_space<vmem>>
        %dma_start3A_42 = arith.constant 0 : i32
        %dma_start3A_43 = tpu.memref_slice %arg4[%mul3A_39, %dma_start3A_42] : memref<10112x16xf32, #tpu.memory_space<hbm>> -> memref<632x16xf32, #tpu.memory_space<hbm>>
        %dma_start3A_44 = arith.constant 0 : i32
        %dma_start3A_45 = tpu.memref_slice %arg4[%mul3A_39, %dma_start3A_44] : memref<10112x16xf32, #tpu.memory_space<hbm>> -> memref<632x16xf32, #tpu.memory_space<hbm>>
        %dma_start3A_46 = arith.constant 0 : i32
        %dma_start3A_47 = arith.constant 0 : i32
        %dma_start3A_48 = tpu.memref_slice %arg8[%dma_start3A_46, %dma_start3A_47] : memref<640x16xf32, #tpu.memory_space<vmem>> -> memref<632x16xf32, #tpu.memory_space<vmem>>
        tpu.enqueue_dma source(%dma_start3A_48 : memref<632x16xf32, #tpu.memory_space<vmem>>) target(%dma_start3A_45 : memref<632x16xf32, #tpu.memory_space<hbm>>) target_semaphore(%run_scoped3A : memref<!tpu.dma_semaphore, #tpu.memory_space<semaphore_mem>>)
        %dma_wait3A = arith.constant 0 : i32
        %dma_wait3A_49 = arith.constant 0 : i32
        %dma_wait3A_50 = tpu.memref_slice %arg8[%dma_wait3A, %dma_wait3A_49] : memref<640x16xf32, #tpu.memory_space<vmem>> -> memref<632x16xf32, #tpu.memory_space<vmem>>
        %dma_wait3A_51 = arith.constant 0 : i32
        %dma_wait3A_52 = tpu.memref_slice %arg4[%mul3A_39, %dma_wait3A_51] : memref<10112x16xf32, #tpu.memory_space<hbm>> -> memref<632x16xf32, #tpu.memory_space<hbm>>
        %dma_wait3A_53 = arith.constant 0 : i32
        %dma_wait3A_54 = tpu.memref_slice %arg4[%mul3A_39, %dma_wait3A_53] : memref<10112x16xf32, #tpu.memory_space<hbm>> -> memref<632x16xf32, #tpu.memory_space<hbm>>
        %dma_wait3A_55 = arith.constant 0 : i32
        %dma_wait3A_56 = arith.constant 0 : i32
        %dma_wait3A_57 = tpu.memref_slice %arg8[%dma_wait3A_55, %dma_wait3A_56] : memref<640x16xf32, #tpu.memory_space<vmem>> -> memref<632x16xf32, #tpu.memory_space<vmem>>
        tpu.wait_dma2 semaphore(%run_scoped3A : memref<!tpu.dma_semaphore, #tpu.memory_space<semaphore_mem>>) src(%dma_wait3A_57 : memref<632x16xf32, #tpu.memory_space<vmem>>) dst(%dma_wait3A_54 : memref<632x16xf32, #tpu.memory_space<hbm>>)
        tpu.yield
      }) : () -> ()
    } else {
    }
    return
  }
}

#map = affine_map<(d0, d1) -> (0, 0)>
module attributes {stable_mosaic.version = 14 : i64} {
  func.func @_sc_aggregate(%arg0: i32, %arg1: i32, %arg2: memref<10112x16xf32, #tpu.memory_space<hbm>>, %arg3: memref<2560x128xi32, #tpu.memory_space<hbm>>, %arg4: memref<2560x128xi32, #tpu.memory_space<hbm>>, %arg5: memref<10112x16xf32, #tpu.memory_space<hbm>>, %arg6: memref<10112x16xf32, #tpu.memory_space<hbm>>, %arg7: memref<80x128xi32, #tpu.memory_space<vmem>>, %arg8: memref<80x128xi32, #tpu.memory_space<vmem>>, %arg9: memref<128x16xf32, #tpu.memory_space<vmem>>, %arg10: memref<128x16xf32, #tpu.memory_space<vmem>>, %arg11: memref<632x16xf32, #tpu.memory_space<vmem>>, %arg12: memref<10112x16xf32, #tpu.memory_space<vmem_shared>>, %arg13: memref<10112x16xf32, #tpu.memory_space<vmem_shared>>, %arg14: memref<!tpu.dma_semaphore, #tpu.memory_space<semaphore_mem>>, %arg15: memref<!tpu.dma_semaphore, #tpu.memory_space<semaphore_mem>>) attributes {dimension_semantics = [#tpu.dimension_semantics<core_parallel>, #tpu.dimension_semantics<subcore_parallel>], iteration_bounds = array<i64: 2, 16>, scalar_prefetch = 0 : i64, scratch_operands = 9 : i64, tpu.core_type = #tpu.core_type<sc_vector_subcore>, window_params = [{transform_indices = #map}, {transform_indices = #map}, {transform_indices = #map}, {transform_indices = #map}, {transform_indices = #map}]} {
    %mul3A = arith.constant 16 : i32
    %mul3A_0 = arith.muli %arg0, %mul3A : i32
    %add3A = arith.addi %mul3A_0, %arg1 : i32
    %mul3A_1 = arith.constant 80 : i32
    %mul3A_2 = arith.muli %add3A, %mul3A_1 : i32
    "tpu.region"() ({
      %run_scoped3A_57 = tpu.sem_alloc : memref<!tpu.dma_semaphore, #tpu.memory_space<semaphore_mem>>
      %dma_start3A_58 = arith.constant 0 : i32
      %dma_start3A_59 = tpu.memref_slice %arg3[%mul3A_2, %dma_start3A_58] : memref<2560x128xi32, #tpu.memory_space<hbm>> -> memref<80x128xi32, #tpu.memory_space<hbm>>
      %dma_start3A_60 = arith.constant 0 : i32
      %dma_start3A_61 = tpu.memref_slice %arg3[%mul3A_2, %dma_start3A_60] : memref<2560x128xi32, #tpu.memory_space<hbm>> -> memref<80x128xi32, #tpu.memory_space<hbm>>
      tpu.enqueue_dma source(%dma_start3A_61 : memref<80x128xi32, #tpu.memory_space<hbm>>) target(%arg7 : memref<80x128xi32, #tpu.memory_space<vmem>>) target_semaphore(%run_scoped3A_57 : memref<!tpu.dma_semaphore, #tpu.memory_space<semaphore_mem>>)
      %dma_wait3A_62 = arith.constant 0 : i32
      %dma_wait3A_63 = tpu.memref_slice %arg3[%mul3A_2, %dma_wait3A_62] : memref<2560x128xi32, #tpu.memory_space<hbm>> -> memref<80x128xi32, #tpu.memory_space<hbm>>
      %dma_wait3A_64 = arith.constant 0 : i32
      %dma_wait3A_65 = tpu.memref_slice %arg3[%mul3A_2, %dma_wait3A_64] : memref<2560x128xi32, #tpu.memory_space<hbm>> -> memref<80x128xi32, #tpu.memory_space<hbm>>
      tpu.wait_dma2 semaphore(%run_scoped3A_57 : memref<!tpu.dma_semaphore, #tpu.memory_space<semaphore_mem>>) src(%dma_wait3A_65 : memref<80x128xi32, #tpu.memory_space<hbm>>) dst(%arg7 : memref<80x128xi32, #tpu.memory_space<vmem>>)
      tpu.yield
    }) : () -> ()
    %mul3A_3 = arith.constant 80 : i32
    %mul3A_4 = arith.muli %add3A, %mul3A_3 : i32
    "tpu.region"() ({
      %run_scoped3A_57 = tpu.sem_alloc : memref<!tpu.dma_semaphore, #tpu.memory_space<semaphore_mem>>
      %dma_start3A_58 = arith.constant 0 : i32
      %dma_start3A_59 = tpu.memref_slice %arg4[%mul3A_4, %dma_start3A_58] : memref<2560x128xi32, #tpu.memory_space<hbm>> -> memref<80x128xi32, #tpu.memory_space<hbm>>
      %dma_start3A_60 = arith.constant 0 : i32
      %dma_start3A_61 = tpu.memref_slice %arg4[%mul3A_4, %dma_start3A_60] : memref<2560x128xi32, #tpu.memory_space<hbm>> -> memref<80x128xi32, #tpu.memory_space<hbm>>
      tpu.enqueue_dma source(%dma_start3A_61 : memref<80x128xi32, #tpu.memory_space<hbm>>) target(%arg8 : memref<80x128xi32, #tpu.memory_space<vmem>>) target_semaphore(%run_scoped3A_57 : memref<!tpu.dma_semaphore, #tpu.memory_space<semaphore_mem>>)
      %dma_wait3A_62 = arith.constant 0 : i32
      %dma_wait3A_63 = tpu.memref_slice %arg4[%mul3A_4, %dma_wait3A_62] : memref<2560x128xi32, #tpu.memory_space<hbm>> -> memref<80x128xi32, #tpu.memory_space<hbm>>
      %dma_wait3A_64 = arith.constant 0 : i32
      %dma_wait3A_65 = tpu.memref_slice %arg4[%mul3A_4, %dma_wait3A_64] : memref<2560x128xi32, #tpu.memory_space<hbm>> -> memref<80x128xi32, #tpu.memory_space<hbm>>
      tpu.wait_dma2 semaphore(%run_scoped3A_57 : memref<!tpu.dma_semaphore, #tpu.memory_space<semaphore_mem>>) src(%dma_wait3A_65 : memref<80x128xi32, #tpu.memory_space<hbm>>) dst(%arg8 : memref<80x128xi32, #tpu.memory_space<vmem>>)
      tpu.yield
    }) : () -> ()
    %mul3A_5 = arith.constant 632 : i32
    %mul3A_6 = arith.muli %arg1, %mul3A_5 : i32
    %mul3A_7 = arith.constant 632 : i32
    %mul3A_8 = arith.muli %arg1, %mul3A_7 : i32
    "tpu.region"() ({
      %run_scoped3A_57 = tpu.sem_alloc : memref<!tpu.dma_semaphore, #tpu.memory_space<semaphore_mem>>
      %dma_start3A_58 = arith.constant 0 : i32
      %dma_start3A_59 = tpu.memref_slice %arg12[%mul3A_8, %dma_start3A_58] : memref<10112x16xf32, #tpu.memory_space<vmem_shared>> -> memref<632x16xf32, #tpu.memory_space<vmem_shared>>
      %dma_start3A_60 = arith.constant 0 : i32
      %dma_start3A_61 = tpu.memref_slice %arg2[%mul3A_6, %dma_start3A_60] : memref<10112x16xf32, #tpu.memory_space<hbm>> -> memref<632x16xf32, #tpu.memory_space<hbm>>
      tpu.enqueue_dma source(%dma_start3A_61 : memref<632x16xf32, #tpu.memory_space<hbm>>) target(%dma_start3A_59 : memref<632x16xf32, #tpu.memory_space<vmem_shared>>) target_semaphore(%run_scoped3A_57 : memref<!tpu.dma_semaphore, #tpu.memory_space<semaphore_mem>>)
      %dma_wait3A_62 = arith.constant 0 : i32
      %dma_wait3A_63 = tpu.memref_slice %arg12[%mul3A_8, %dma_wait3A_62] : memref<10112x16xf32, #tpu.memory_space<vmem_shared>> -> memref<632x16xf32, #tpu.memory_space<vmem_shared>>
      %dma_wait3A_64 = arith.constant 0 : i32
      %dma_wait3A_65 = tpu.memref_slice %arg2[%mul3A_6, %dma_wait3A_64] : memref<10112x16xf32, #tpu.memory_space<hbm>> -> memref<632x16xf32, #tpu.memory_space<hbm>>
      tpu.wait_dma2 semaphore(%run_scoped3A_57 : memref<!tpu.dma_semaphore, #tpu.memory_space<semaphore_mem>>) src(%dma_wait3A_65 : memref<632x16xf32, #tpu.memory_space<hbm>>) dst(%dma_wait3A_63 : memref<632x16xf32, #tpu.memory_space<vmem_shared>>)
      tpu.yield
    }) : () -> ()
    %scan3A = arith.constant 0 : i32
    %scan3A_9 = arith.constant 0 : i32
    %scan3A_10 = arith.constant 632 : i32
    %scan3A_11 = arith.addi %scan3A_9, %scan3A_10 : i32
    %scan3A_12 = arith.constant 1 : i32
    scf.for %scan3A_57 = %scan3A_9 to %scan3A_11 step %scan3A_12  : i32 {
      %broadcast_in_dim3A = arith.constant 0.000000e+00 : f32
      %broadcast_in_dim3A_58 = vector.broadcast %broadcast_in_dim3A : f32 to vector<16xf32>
      %swap3A = arith.index_cast %scan3A_57 : i32 to index
      %swap3A_59 = arith.constant 0 : index
      %swap3A_60 = tpu.vector_load %arg11[%swap3A, %swap3A_59] {strides = array<i32>} : memref<632x16xf32, #tpu.memory_space<vmem>>, vector<1x16xf32>,
      %swap3A_61 = vector.shape_cast %swap3A_60 : vector<1x16xf32> to vector<16xf32>
      %swap3A_62 = vector.shape_cast %broadcast_in_dim3A_58 : vector<16xf32> to vector<1x16xf32>
      tpu.vector_store %arg11[%swap3A, %swap3A_59], %swap3A_62 {strides = array<i32>} : memref<632x16xf32, #tpu.memory_space<vmem>>, vector<1x16xf32>,
    }
    %scan3A_13 = arith.constant 632 : i32
    %mul3A_14 = arith.constant 632 : i32
    %mul3A_15 = arith.muli %arg1, %mul3A_14 : i32
    "tpu.region"() ({
      %run_scoped3A_57 = tpu.sem_alloc : memref<!tpu.dma_semaphore, #tpu.memory_space<semaphore_mem>>
      %dma_start3A_58 = arith.constant 0 : i32
      %dma_start3A_59 = tpu.memref_slice %arg13[%mul3A_15, %dma_start3A_58] : memref<10112x16xf32, #tpu.memory_space<vmem_shared>> -> memref<632x16xf32, #tpu.memory_space<vmem_shared>>
      %dma_start3A_60 = arith.constant 0 : i32
      %dma_start3A_61 = tpu.memref_slice %arg13[%mul3A_15, %dma_start3A_60] : memref<10112x16xf32, #tpu.memory_space<vmem_shared>> -> memref<632x16xf32, #tpu.memory_space<vmem_shared>>
      tpu.enqueue_dma source(%arg11 : memref<632x16xf32, #tpu.memory_space<vmem>>) target(%dma_start3A_61 : memref<632x16xf32, #tpu.memory_space<vmem_shared>>) target_semaphore(%run_scoped3A_57 : memref<!tpu.dma_semaphore, #tpu.memory_space<semaphore_mem>>)
      %dma_wait3A_62 = arith.constant 0 : i32
      %dma_wait3A_63 = tpu.memref_slice %arg13[%mul3A_15, %dma_wait3A_62] : memref<10112x16xf32, #tpu.memory_space<vmem_shared>> -> memref<632x16xf32, #tpu.memory_space<vmem_shared>>
      %dma_wait3A_64 = arith.constant 0 : i32
      %dma_wait3A_65 = tpu.memref_slice %arg13[%mul3A_15, %dma_wait3A_64] : memref<10112x16xf32, #tpu.memory_space<vmem_shared>> -> memref<632x16xf32, #tpu.memory_space<vmem_shared>>
      tpu.wait_dma2 semaphore(%run_scoped3A_57 : memref<!tpu.dma_semaphore, #tpu.memory_space<semaphore_mem>>) src(%arg11 : memref<632x16xf32, #tpu.memory_space<vmem>>) dst(%dma_wait3A_65 : memref<632x16xf32, #tpu.memory_space<vmem_shared>>)
      tpu.yield
    }) : () -> ()
    %barrier3A = arith.constant 0 : index
    tpu.barrier barrier_id(%barrier3A)
    %dma_start3A = arith.constant 0 : i32
    %dma_start3A_16 = arith.constant 0 : i32
    %dma_start3A_17 = tpu.memref_slice %arg7[%dma_start3A, %dma_start3A_16] : memref<80x128xi32, #tpu.memory_space<vmem>> -> memref<1x128xi32, #tpu.memory_space<vmem>>
    %dma_start3A_18 = tpu.memref_squeeze %dma_start3A_17 : memref<1x128xi32, #tpu.memory_space<vmem>> -> memref<128xi32, #tpu.memory_space<vmem>>
    %dma_start3A_19 = arith.constant 0 : i32
    %dma_start3A_20 = arith.constant 0 : i32
    %dma_start3A_21 = tpu.memref_slice %arg12[%dma_start3A_19, %dma_start3A_20] : memref<10112x16xf32, #tpu.memory_space<vmem_shared>> -> memref<10112x16xf32, #tpu.memory_space<vmem_shared>>
    tpu.enqueue_indirect_dma source(%dma_start3A_21 : memref<10112x16xf32, #tpu.memory_space<vmem_shared>>) target(%arg9 : memref<128x16xf32, #tpu.memory_space<vmem>>) offsets(%dma_start3A_18 : memref<128xi32, #tpu.memory_space<vmem>>) semaphore(%arg14 : memref<!tpu.dma_semaphore, #tpu.memory_space<semaphore_mem>>)
    %scan3A_22 = arith.constant 0 : i32
    %scan3A_23 = arith.constant 0 : i32
    %scan3A_24 = arith.constant 39 : i32
    %scan3A_25 = arith.addi %scan3A_23, %scan3A_24 : i32
    %scan3A_26 = arith.constant 1 : i32
    scf.for %scan3A_57 = %scan3A_23 to %scan3A_25 step %scan3A_26  : i32 {
      %mul3A_58 = arith.constant 2 : i32
      %mul3A_59 = arith.muli %scan3A_57, %mul3A_58 : i32
      %add3A_60 = arith.constant 1 : i32
      %add3A_61 = arith.addi %mul3A_59, %add3A_60 : i32
      %dma_start3A_62 = arith.constant 0 : i32
      %dma_start3A_63 = tpu.memref_slice %arg7[%add3A_61, %dma_start3A_62] : memref<80x128xi32, #tpu.memory_space<vmem>> -> memref<1x128xi32, #tpu.memory_space<vmem>>
      %dma_start3A_64 = tpu.memref_squeeze %dma_start3A_63 : memref<1x128xi32, #tpu.memory_space<vmem>> -> memref<128xi32, #tpu.memory_space<vmem>>
      %dma_start3A_65 = arith.constant 0 : i32
      %dma_start3A_66 = arith.constant 0 : i32
      %dma_start3A_67 = tpu.memref_slice %arg12[%dma_start3A_65, %dma_start3A_66] : memref<10112x16xf32, #tpu.memory_space<vmem_shared>> -> memref<10112x16xf32, #tpu.memory_space<vmem_shared>>
      tpu.enqueue_indirect_dma source(%dma_start3A_67 : memref<10112x16xf32, #tpu.memory_space<vmem_shared>>) target(%arg10 : memref<128x16xf32, #tpu.memory_space<vmem>>) offsets(%dma_start3A_64 : memref<128xi32, #tpu.memory_space<vmem>>) semaphore(%arg15 : memref<!tpu.dma_semaphore, #tpu.memory_space<semaphore_mem>>)
      %dma_wait3A_68 = arith.constant 0 : i32
      %dma_wait3A_69 = tpu.memref_slice %arg7[%mul3A_59, %dma_wait3A_68] : memref<80x128xi32, #tpu.memory_space<vmem>> -> memref<1x128xi32, #tpu.memory_space<vmem>>
      %dma_wait3A_70 = tpu.memref_squeeze %dma_wait3A_69 : memref<1x128xi32, #tpu.memory_space<vmem>> -> memref<128xi32, #tpu.memory_space<vmem>>
      %dma_wait3A_71 = arith.constant 0 : i32
      %dma_wait3A_72 = arith.constant 0 : i32
      %dma_wait3A_73 = tpu.memref_slice %arg12[%dma_wait3A_71, %dma_wait3A_72] : memref<10112x16xf32, #tpu.memory_space<vmem_shared>> -> memref<10112x16xf32, #tpu.memory_space<vmem_shared>>
      tpu.wait_indirect_dma semaphore(%arg14 : memref<!tpu.dma_semaphore, #tpu.memory_space<semaphore_mem>>) src(%dma_wait3A_73 : memref<10112x16xf32, #tpu.memory_space<vmem_shared>>) dst(%arg9 : memref<128x16xf32, #tpu.memory_space<vmem>>)
      "tpu.region"() ({
        %run_scoped3A_92 = tpu.sem_alloc : memref<!tpu.dma_semaphore, #tpu.memory_space<semaphore_mem>>
        %dma_start3A_93 = arith.constant 0 : i32
        %dma_start3A_94 = tpu.memref_slice %arg8[%mul3A_59, %dma_start3A_93] : memref<80x128xi32, #tpu.memory_space<vmem>> -> memref<1x128xi32, #tpu.memory_space<vmem>>
        %dma_start3A_95 = tpu.memref_squeeze %dma_start3A_94 : memref<1x128xi32, #tpu.memory_space<vmem>> -> memref<128xi32, #tpu.memory_space<vmem>>
        %dma_start3A_96 = arith.constant 0 : i32
        %dma_start3A_97 = arith.constant 0 : i32
        %dma_start3A_98 = tpu.memref_slice %arg13[%dma_start3A_96, %dma_start3A_97] : memref<10112x16xf32, #tpu.memory_space<vmem_shared>> -> memref<10112x16xf32, #tpu.memory_space<vmem_shared>>
        tpu.enqueue_indirect_dma source(%arg9 : memref<128x16xf32, #tpu.memory_space<vmem>>) target(%dma_start3A_98 : memref<10112x16xf32, #tpu.memory_space<vmem_shared>>) offsets(%dma_start3A_95 : memref<128xi32, #tpu.memory_space<vmem>>) semaphore(%run_scoped3A_92 : memref<!tpu.dma_semaphore, #tpu.memory_space<semaphore_mem>>) {add = true}
        %dma_wait3A_99 = arith.constant 0 : i32
        %dma_wait3A_100 = tpu.memref_slice %arg8[%mul3A_59, %dma_wait3A_99] : memref<80x128xi32, #tpu.memory_space<vmem>> -> memref<1x128xi32, #tpu.memory_space<vmem>>
        %dma_wait3A_101 = tpu.memref_squeeze %dma_wait3A_100 : memref<1x128xi32, #tpu.memory_space<vmem>> -> memref<128xi32, #tpu.memory_space<vmem>>
        %dma_wait3A_102 = arith.constant 0 : i32
        %dma_wait3A_103 = arith.constant 0 : i32
        %dma_wait3A_104 = tpu.memref_slice %arg13[%dma_wait3A_102, %dma_wait3A_103] : memref<10112x16xf32, #tpu.memory_space<vmem_shared>> -> memref<10112x16xf32, #tpu.memory_space<vmem_shared>>
        tpu.wait_indirect_dma semaphore(%run_scoped3A_92 : memref<!tpu.dma_semaphore, #tpu.memory_space<semaphore_mem>>) src(%arg9 : memref<128x16xf32, #tpu.memory_space<vmem>>) dst(%dma_wait3A_104 : memref<10112x16xf32, #tpu.memory_space<vmem_shared>>)
        tpu.yield
      }) : () -> ()
      %add3A_74 = arith.constant 2 : i32
      %add3A_75 = arith.addi %mul3A_59, %add3A_74 : i32
      %dma_start3A_76 = arith.constant 0 : i32
      %dma_start3A_77 = tpu.memref_slice %arg7[%add3A_75, %dma_start3A_76] : memref<80x128xi32, #tpu.memory_space<vmem>> -> memref<1x128xi32, #tpu.memory_space<vmem>>
      %dma_start3A_78 = tpu.memref_squeeze %dma_start3A_77 : memref<1x128xi32, #tpu.memory_space<vmem>> -> memref<128xi32, #tpu.memory_space<vmem>>
      %dma_start3A_79 = arith.constant 0 : i32
      %dma_start3A_80 = arith.constant 0 : i32
      %dma_start3A_81 = tpu.memref_slice %arg12[%dma_start3A_79, %dma_start3A_80] : memref<10112x16xf32, #tpu.memory_space<vmem_shared>> -> memref<10112x16xf32, #tpu.memory_space<vmem_shared>>
      tpu.enqueue_indirect_dma source(%dma_start3A_81 : memref<10112x16xf32, #tpu.memory_space<vmem_shared>>) target(%arg9 : memref<128x16xf32, #tpu.memory_space<vmem>>) offsets(%dma_start3A_78 : memref<128xi32, #tpu.memory_space<vmem>>) semaphore(%arg14 : memref<!tpu.dma_semaphore, #tpu.memory_space<semaphore_mem>>)
      %add3A_82 = arith.constant 1 : i32
      %add3A_83 = arith.addi %mul3A_59, %add3A_82 : i32
      %dma_wait3A_84 = arith.constant 0 : i32
      %dma_wait3A_85 = tpu.memref_slice %arg7[%add3A_83, %dma_wait3A_84] : memref<80x128xi32, #tpu.memory_space<vmem>> -> memref<1x128xi32, #tpu.memory_space<vmem>>
      %dma_wait3A_86 = tpu.memref_squeeze %dma_wait3A_85 : memref<1x128xi32, #tpu.memory_space<vmem>> -> memref<128xi32, #tpu.memory_space<vmem>>
      %dma_wait3A_87 = arith.constant 0 : i32
      %dma_wait3A_88 = arith.constant 0 : i32
      %dma_wait3A_89 = tpu.memref_slice %arg12[%dma_wait3A_87, %dma_wait3A_88] : memref<10112x16xf32, #tpu.memory_space<vmem_shared>> -> memref<10112x16xf32, #tpu.memory_space<vmem_shared>>
      tpu.wait_indirect_dma semaphore(%arg15 : memref<!tpu.dma_semaphore, #tpu.memory_space<semaphore_mem>>) src(%dma_wait3A_89 : memref<10112x16xf32, #tpu.memory_space<vmem_shared>>) dst(%arg10 : memref<128x16xf32, #tpu.memory_space<vmem>>)
      %add3A_90 = arith.constant 1 : i32
      %add3A_91 = arith.addi %mul3A_59, %add3A_90 : i32
      "tpu.region"() ({
        %run_scoped3A_92 = tpu.sem_alloc : memref<!tpu.dma_semaphore, #tpu.memory_space<semaphore_mem>>
        %dma_start3A_93 = arith.constant 0 : i32
        %dma_start3A_94 = tpu.memref_slice %arg8[%add3A_91, %dma_start3A_93] : memref<80x128xi32, #tpu.memory_space<vmem>> -> memref<1x128xi32, #tpu.memory_space<vmem>>
        %dma_start3A_95 = tpu.memref_squeeze %dma_start3A_94 : memref<1x128xi32, #tpu.memory_space<vmem>> -> memref<128xi32, #tpu.memory_space<vmem>>
        %dma_start3A_96 = arith.constant 0 : i32
        %dma_start3A_97 = arith.constant 0 : i32
        %dma_start3A_98 = tpu.memref_slice %arg13[%dma_start3A_96, %dma_start3A_97] : memref<10112x16xf32, #tpu.memory_space<vmem_shared>> -> memref<10112x16xf32, #tpu.memory_space<vmem_shared>>
        tpu.enqueue_indirect_dma source(%arg10 : memref<128x16xf32, #tpu.memory_space<vmem>>) target(%dma_start3A_98 : memref<10112x16xf32, #tpu.memory_space<vmem_shared>>) offsets(%dma_start3A_95 : memref<128xi32, #tpu.memory_space<vmem>>) semaphore(%run_scoped3A_92 : memref<!tpu.dma_semaphore, #tpu.memory_space<semaphore_mem>>) {add = true}
        %dma_wait3A_99 = arith.constant 0 : i32
        %dma_wait3A_100 = tpu.memref_slice %arg8[%add3A_91, %dma_wait3A_99] : memref<80x128xi32, #tpu.memory_space<vmem>> -> memref<1x128xi32, #tpu.memory_space<vmem>>
        %dma_wait3A_101 = tpu.memref_squeeze %dma_wait3A_100 : memref<1x128xi32, #tpu.memory_space<vmem>> -> memref<128xi32, #tpu.memory_space<vmem>>
        %dma_wait3A_102 = arith.constant 0 : i32
        %dma_wait3A_103 = arith.constant 0 : i32
        %dma_wait3A_104 = tpu.memref_slice %arg13[%dma_wait3A_102, %dma_wait3A_103] : memref<10112x16xf32, #tpu.memory_space<vmem_shared>> -> memref<10112x16xf32, #tpu.memory_space<vmem_shared>>
        tpu.wait_indirect_dma semaphore(%run_scoped3A_92 : memref<!tpu.dma_semaphore, #tpu.memory_space<semaphore_mem>>) src(%arg10 : memref<128x16xf32, #tpu.memory_space<vmem>>) dst(%dma_wait3A_104 : memref<10112x16xf32, #tpu.memory_space<vmem_shared>>)
        tpu.yield
      }) : () -> ()
    }
    %scan3A_27 = arith.constant 39 : i32
    %dma_start3A_28 = arith.constant 79 : i32
    %dma_start3A_29 = arith.constant 0 : i32
    %dma_start3A_30 = tpu.memref_slice %arg7[%dma_start3A_28, %dma_start3A_29] : memref<80x128xi32, #tpu.memory_space<vmem>> -> memref<1x128xi32, #tpu.memory_space<vmem>>
    %dma_start3A_31 = tpu.memref_squeeze %dma_start3A_30 : memref<1x128xi32, #tpu.memory_space<vmem>> -> memref<128xi32, #tpu.memory_space<vmem>>
    %dma_start3A_32 = arith.constant 0 : i32
    %dma_start3A_33 = arith.constant 0 : i32
    %dma_start3A_34 = tpu.memref_slice %arg12[%dma_start3A_32, %dma_start3A_33] : memref<10112x16xf32, #tpu.memory_space<vmem_shared>> -> memref<10112x16xf32, #tpu.memory_space<vmem_shared>>
    tpu.enqueue_indirect_dma source(%dma_start3A_34 : memref<10112x16xf32, #tpu.memory_space<vmem_shared>>) target(%arg10 : memref<128x16xf32, #tpu.memory_space<vmem>>) offsets(%dma_start3A_31 : memref<128xi32, #tpu.memory_space<vmem>>) semaphore(%arg15 : memref<!tpu.dma_semaphore, #tpu.memory_space<semaphore_mem>>)
    %dma_wait3A = arith.constant 78 : i32
    %dma_wait3A_35 = arith.constant 0 : i32
    %dma_wait3A_36 = tpu.memref_slice %arg7[%dma_wait3A, %dma_wait3A_35] : memref<80x128xi32, #tpu.memory_space<vmem>> -> memref<1x128xi32, #tpu.memory_space<vmem>>
    %dma_wait3A_37 = tpu.memref_squeeze %dma_wait3A_36 : memref<1x128xi32, #tpu.memory_space<vmem>> -> memref<128xi32, #tpu.memory_space<vmem>>
    %dma_wait3A_38 = arith.constant 0 : i32
    %dma_wait3A_39 = arith.constant 0 : i32
    %dma_wait3A_40 = tpu.memref_slice %arg12[%dma_wait3A_38, %dma_wait3A_39] : memref<10112x16xf32, #tpu.memory_space<vmem_shared>> -> memref<10112x16xf32, #tpu.memory_space<vmem_shared>>
    tpu.wait_indirect_dma semaphore(%arg14 : memref<!tpu.dma_semaphore, #tpu.memory_space<semaphore_mem>>) src(%dma_wait3A_40 : memref<10112x16xf32, #tpu.memory_space<vmem_shared>>) dst(%arg9 : memref<128x16xf32, #tpu.memory_space<vmem>>)
    %run_scoped3A = arith.constant 78 : i32
    "tpu.region"() ({
      %run_scoped3A_57 = tpu.sem_alloc : memref<!tpu.dma_semaphore, #tpu.memory_space<semaphore_mem>>
      %dma_start3A_58 = arith.constant 0 : i32
      %dma_start3A_59 = tpu.memref_slice %arg8[%run_scoped3A, %dma_start3A_58] : memref<80x128xi32, #tpu.memory_space<vmem>> -> memref<1x128xi32, #tpu.memory_space<vmem>>
      %dma_start3A_60 = tpu.memref_squeeze %dma_start3A_59 : memref<1x128xi32, #tpu.memory_space<vmem>> -> memref<128xi32, #tpu.memory_space<vmem>>
      %dma_start3A_61 = arith.constant 0 : i32
      %dma_start3A_62 = arith.constant 0 : i32
      %dma_start3A_63 = tpu.memref_slice %arg13[%dma_start3A_61, %dma_start3A_62] : memref<10112x16xf32, #tpu.memory_space<vmem_shared>> -> memref<10112x16xf32, #tpu.memory_space<vmem_shared>>
      tpu.enqueue_indirect_dma source(%arg9 : memref<128x16xf32, #tpu.memory_space<vmem>>) target(%dma_start3A_63 : memref<10112x16xf32, #tpu.memory_space<vmem_shared>>) offsets(%dma_start3A_60 : memref<128xi32, #tpu.memory_space<vmem>>) semaphore(%run_scoped3A_57 : memref<!tpu.dma_semaphore, #tpu.memory_space<semaphore_mem>>) {add = true}
      %dma_wait3A_64 = arith.constant 0 : i32
      %dma_wait3A_65 = tpu.memref_slice %arg8[%run_scoped3A, %dma_wait3A_64] : memref<80x128xi32, #tpu.memory_space<vmem>> -> memref<1x128xi32, #tpu.memory_space<vmem>>
      %dma_wait3A_66 = tpu.memref_squeeze %dma_wait3A_65 : memref<1x128xi32, #tpu.memory_space<vmem>> -> memref<128xi32, #tpu.memory_space<vmem>>
      %dma_wait3A_67 = arith.constant 0 : i32
      %dma_wait3A_68 = arith.constant 0 : i32
      %dma_wait3A_69 = tpu.memref_slice %arg13[%dma_wait3A_67, %dma_wait3A_68] : memref<10112x16xf32, #tpu.memory_space<vmem_shared>> -> memref<10112x16xf32, #tpu.memory_space<vmem_shared>>
      tpu.wait_indirect_dma semaphore(%run_scoped3A_57 : memref<!tpu.dma_semaphore, #tpu.memory_space<semaphore_mem>>) src(%arg9 : memref<128x16xf32, #tpu.memory_space<vmem>>) dst(%dma_wait3A_69 : memref<10112x16xf32, #tpu.memory_space<vmem_shared>>)
      tpu.yield
    }) : () -> ()
    %dma_wait3A_41 = arith.constant 79 : i32
    %dma_wait3A_42 = arith.constant 0 : i32
    %dma_wait3A_43 = tpu.memref_slice %arg7[%dma_wait3A_41, %dma_wait3A_42] : memref<80x128xi32, #tpu.memory_space<vmem>> -> memref<1x128xi32, #tpu.memory_space<vmem>>
    %dma_wait3A_44 = tpu.memref_squeeze %dma_wait3A_43 : memref<1x128xi32, #tpu.memory_space<vmem>> -> memref<128xi32, #tpu.memory_space<vmem>>
    %dma_wait3A_45 = arith.constant 0 : i32
    %dma_wait3A_46 = arith.constant 0 : i32
    %dma_wait3A_47 = tpu.memref_slice %arg12[%dma_wait3A_45, %dma_wait3A_46] : memref<10112x16xf32, #tpu.memory_space<vmem_shared>> -> memref<10112x16xf32, #tpu.memory_space<vmem_shared>>
    tpu.wait_indirect_dma semaphore(%arg15 : memref<!tpu.dma_semaphore, #tpu.memory_space<semaphore_mem>>) src(%dma_wait3A_47 : memref<10112x16xf32, #tpu.memory_space<vmem_shared>>) dst(%arg10 : memref<128x16xf32, #tpu.memory_space<vmem>>)
    %run_scoped3A_48 = arith.constant 79 : i32
    "tpu.region"() ({
      %run_scoped3A_57 = tpu.sem_alloc : memref<!tpu.dma_semaphore, #tpu.memory_space<semaphore_mem>>
      %dma_start3A_58 = arith.constant 0 : i32
      %dma_start3A_59 = tpu.memref_slice %arg8[%run_scoped3A_48, %dma_start3A_58] : memref<80x128xi32, #tpu.memory_space<vmem>> -> memref<1x128xi32, #tpu.memory_space<vmem>>
      %dma_start3A_60 = tpu.memref_squeeze %dma_start3A_59 : memref<1x128xi32, #tpu.memory_space<vmem>> -> memref<128xi32, #tpu.memory_space<vmem>>
      %dma_start3A_61 = arith.constant 0 : i32
      %dma_start3A_62 = arith.constant 0 : i32
      %dma_start3A_63 = tpu.memref_slice %arg13[%dma_start3A_61, %dma_start3A_62] : memref<10112x16xf32, #tpu.memory_space<vmem_shared>> -> memref<10112x16xf32, #tpu.memory_space<vmem_shared>>
      tpu.enqueue_indirect_dma source(%arg10 : memref<128x16xf32, #tpu.memory_space<vmem>>) target(%dma_start3A_63 : memref<10112x16xf32, #tpu.memory_space<vmem_shared>>) offsets(%dma_start3A_60 : memref<128xi32, #tpu.memory_space<vmem>>) semaphore(%run_scoped3A_57 : memref<!tpu.dma_semaphore, #tpu.memory_space<semaphore_mem>>) {add = true}
      %dma_wait3A_64 = arith.constant 0 : i32
      %dma_wait3A_65 = tpu.memref_slice %arg8[%run_scoped3A_48, %dma_wait3A_64] : memref<80x128xi32, #tpu.memory_space<vmem>> -> memref<1x128xi32, #tpu.memory_space<vmem>>
      %dma_wait3A_66 = tpu.memref_squeeze %dma_wait3A_65 : memref<1x128xi32, #tpu.memory_space<vmem>> -> memref<128xi32, #tpu.memory_space<vmem>>
      %dma_wait3A_67 = arith.constant 0 : i32
      %dma_wait3A_68 = arith.constant 0 : i32
      %dma_wait3A_69 = tpu.memref_slice %arg13[%dma_wait3A_67, %dma_wait3A_68] : memref<10112x16xf32, #tpu.memory_space<vmem_shared>> -> memref<10112x16xf32, #tpu.memory_space<vmem_shared>>
      tpu.wait_indirect_dma semaphore(%run_scoped3A_57 : memref<!tpu.dma_semaphore, #tpu.memory_space<semaphore_mem>>) src(%arg10 : memref<128x16xf32, #tpu.memory_space<vmem>>) dst(%dma_wait3A_69 : memref<10112x16xf32, #tpu.memory_space<vmem_shared>>)
      tpu.yield
    }) : () -> ()
    %barrier3A_49 = arith.constant 0 : index
    tpu.barrier barrier_id(%barrier3A_49)
    %eq3A = arith.constant 0 : i32
    %eq3A_50 = arith.cmpi eq, %arg0, %eq3A : i32
    %convert_element_type3A = arith.extui %eq3A_50 : i1 to i32
    %cond3A = arith.constant 0 : i32
    %cond3A_51 = arith.cmpi ne, %convert_element_type3A, %cond3A : i32
    scf.if %cond3A_51 {
      %mul3A_57 = arith.constant 632 : i32
      %mul3A_58 = arith.muli %arg1, %mul3A_57 : i32
      %mul3A_59 = arith.constant 632 : i32
      %mul3A_60 = arith.muli %arg1, %mul3A_59 : i32
      "tpu.region"() ({
        %run_scoped3A_61 = tpu.sem_alloc : memref<!tpu.dma_semaphore, #tpu.memory_space<semaphore_mem>>
        %dma_start3A_62 = arith.constant 0 : i32
        %dma_start3A_63 = tpu.memref_slice %arg5[%mul3A_60, %dma_start3A_62] : memref<10112x16xf32, #tpu.memory_space<hbm>> -> memref<632x16xf32, #tpu.memory_space<hbm>>
        %dma_start3A_64 = arith.constant 0 : i32
        %dma_start3A_65 = tpu.memref_slice %arg13[%mul3A_58, %dma_start3A_64] : memref<10112x16xf32, #tpu.memory_space<vmem_shared>> -> memref<632x16xf32, #tpu.memory_space<vmem_shared>>
        tpu.enqueue_dma source(%dma_start3A_65 : memref<632x16xf32, #tpu.memory_space<vmem_shared>>) target(%dma_start3A_63 : memref<632x16xf32, #tpu.memory_space<hbm>>) target_semaphore(%run_scoped3A_61 : memref<!tpu.dma_semaphore, #tpu.memory_space<semaphore_mem>>)
        %dma_wait3A_66 = arith.constant 0 : i32
        %dma_wait3A_67 = tpu.memref_slice %arg5[%mul3A_60, %dma_wait3A_66] : memref<10112x16xf32, #tpu.memory_space<hbm>> -> memref<632x16xf32, #tpu.memory_space<hbm>>
        %dma_wait3A_68 = arith.constant 0 : i32
        %dma_wait3A_69 = tpu.memref_slice %arg13[%mul3A_58, %dma_wait3A_68] : memref<10112x16xf32, #tpu.memory_space<vmem_shared>> -> memref<632x16xf32, #tpu.memory_space<vmem_shared>>
        tpu.wait_dma2 semaphore(%run_scoped3A_61 : memref<!tpu.dma_semaphore, #tpu.memory_space<semaphore_mem>>) src(%dma_wait3A_69 : memref<632x16xf32, #tpu.memory_space<vmem_shared>>) dst(%dma_wait3A_67 : memref<632x16xf32, #tpu.memory_space<hbm>>)
        tpu.yield
      }) : () -> ()
    } else {
    }
    %eq3A_52 = arith.constant 1 : i32
    %eq3A_53 = arith.cmpi eq, %arg0, %eq3A_52 : i32
    %convert_element_type3A_54 = arith.extui %eq3A_53 : i1 to i32
    %cond3A_55 = arith.constant 0 : i32
    %cond3A_56 = arith.cmpi ne, %convert_element_type3A_54, %cond3A_55 : i32
    scf.if %cond3A_56 {
      %mul3A_57 = arith.constant 632 : i32
      %mul3A_58 = arith.muli %arg1, %mul3A_57 : i32
      %mul3A_59 = arith.constant 632 : i32
      %mul3A_60 = arith.muli %arg1, %mul3A_59 : i32
      "tpu.region"() ({
        %run_scoped3A_61 = tpu.sem_alloc : memref<!tpu.dma_semaphore, #tpu.memory_space<semaphore_mem>>
        %dma_start3A_62 = arith.constant 0 : i32
        %dma_start3A_63 = tpu.memref_slice %arg6[%mul3A_60, %dma_start3A_62] : memref<10112x16xf32, #tpu.memory_space<hbm>> -> memref<632x16xf32, #tpu.memory_space<hbm>>
        %dma_start3A_64 = arith.constant 0 : i32
        %dma_start3A_65 = tpu.memref_slice %arg13[%mul3A_58, %dma_start3A_64] : memref<10112x16xf32, #tpu.memory_space<vmem_shared>> -> memref<632x16xf32, #tpu.memory_space<vmem_shared>>
        tpu.enqueue_dma source(%dma_start3A_65 : memref<632x16xf32, #tpu.memory_space<vmem_shared>>) target(%dma_start3A_63 : memref<632x16xf32, #tpu.memory_space<hbm>>) target_semaphore(%run_scoped3A_61 : memref<!tpu.dma_semaphore, #tpu.memory_space<semaphore_mem>>)
        %dma_wait3A_66 = arith.constant 0 : i32
        %dma_wait3A_67 = tpu.memref_slice %arg6[%mul3A_60, %dma_wait3A_66] : memref<10112x16xf32, #tpu.memory_space<hbm>> -> memref<632x16xf32, #tpu.memory_space<hbm>>
        %dma_wait3A_68 = arith.constant 0 : i32
        %dma_wait3A_69 = tpu.memref_slice %arg13[%mul3A_58, %dma_wait3A_68] : memref<10112x16xf32, #tpu.memory_space<vmem_shared>> -> memref<632x16xf32, #tpu.memory_space<vmem_shared>>
        tpu.wait_dma2 semaphore(%run_scoped3A_61 : memref<!tpu.dma_semaphore, #tpu.memory_space<semaphore_mem>>) src(%dma_wait3A_69 : memref<632x16xf32, #tpu.memory_space<vmem_shared>>) dst(%dma_wait3A_67 : memref<632x16xf32, #tpu.memory_space<hbm>>)
        tpu.yield
      }) : () -> ()
    } else {
    }
    return
  }
}

module attributes {stable_mosaic.version = 14 : i64} {
  func.func @_tc0_body(%arg0: memref<2x320000xi32, #tpu.memory_space<vmem>>, %arg1: memref<327680xi32, #tpu.memory_space<vmem>>, %arg2: memref<327680xi32, #tpu.memory_space<vmem>>) attributes {dimension_semantics = [], scalar_prefetch = 0 : i64, scratch_operands = 0 : i64, tpu.core_type = #tpu.core_type<tc>} {
    %broadcast_in_dim3A = arith.constant 10000 : i32
    %broadcast_in_dim3A_0 = vector.broadcast %broadcast_in_dim3A : i32 to vector<7680xi32>
    %get3A = arith.constant 0 : index
    %get3A_1 = arith.constant 0 : index
    %get3A_2 = vector.load %arg0[%get3A, %get3A_1] : memref<2x320000xi32, #tpu.memory_space<vmem>>, vector<1x320000xi32>
    %get3A_3 = vector.shape_cast %get3A_2 : vector<1x320000xi32> to vector<320000xi32>
    %swap3A = arith.constant 0 : index
    %swap3A_4 = vector.load %arg1[%swap3A] : memref<327680xi32, #tpu.memory_space<vmem>>, vector<320000xi32>
    tpu.vector_store %arg1[%swap3A], %get3A_3 {strides = array<i32>} : memref<327680xi32, #tpu.memory_space<vmem>>, vector<320000xi32>,
    %swap3A_5 = arith.constant 320000 : index
    %swap3A_6 = vector.load %arg1[%swap3A_5] : memref<327680xi32, #tpu.memory_space<vmem>>, vector<7680xi32>
    tpu.vector_store %arg1[%swap3A_5], %broadcast_in_dim3A_0 {strides = array<i32>} : memref<327680xi32, #tpu.memory_space<vmem>>, vector<7680xi32>,
    %get3A_7 = arith.constant 1 : index
    %get3A_8 = arith.constant 0 : index
    %get3A_9 = vector.load %arg0[%get3A_7, %get3A_8] : memref<2x320000xi32, #tpu.memory_space<vmem>>, vector<1x320000xi32>
    %get3A_10 = vector.shape_cast %get3A_9 : vector<1x320000xi32> to vector<320000xi32>
    %swap3A_11 = arith.constant 0 : index
    %swap3A_12 = vector.load %arg2[%swap3A_11] : memref<327680xi32, #tpu.memory_space<vmem>>, vector<320000xi32>
    tpu.vector_store %arg2[%swap3A_11], %get3A_10 {strides = array<i32>} : memref<327680xi32, #tpu.memory_space<vmem>>, vector<320000xi32>,
    %swap3A_13 = arith.constant 320000 : index
    %swap3A_14 = vector.load %arg2[%swap3A_13] : memref<327680xi32, #tpu.memory_space<vmem>>, vector<7680xi32>
    tpu.vector_store %arg2[%swap3A_13], %broadcast_in_dim3A_0 {strides = array<i32>} : memref<327680xi32, #tpu.memory_space<vmem>>, vector<7680xi32>,
    return
  }
}

module attributes {stable_mosaic.version = 14 : i64} {
  func.func @_tc1_body(%arg0: memref<1264x128xf32, #tpu.memory_space<vmem>>, %arg1: memref<1264x128xf32, #tpu.memory_space<vmem>>, %arg2: memref<1264x1024xf32, #tpu.memory_space<vmem>>, %arg3: memref<1024x128xf32, #tpu.memory_space<vmem>>, %arg4: memref<1264x128xf32, #tpu.memory_space<vmem>>, %arg5: memref<1264x128xf32, #tpu.memory_space<vmem>>) attributes {dimension_semantics = [], scalar_prefetch = 0 : i64, scratch_operands = 0 : i64, tpu.core_type = #tpu.core_type<tc>} {
    %get3A = arith.constant 0 : index
    %get3A_0 = arith.constant 0 : index
    %get3A_1 = vector.load %arg0[%get3A, %get3A_0] : memref<1264x128xf32, #tpu.memory_space<vmem>>, vector<1264x128xf32>
    %get3A_2 = arith.constant 0 : index
    %get3A_3 = arith.constant 0 : index
    %get3A_4 = vector.load %arg1[%get3A_2, %get3A_3] : memref<1264x128xf32, #tpu.memory_space<vmem>>, vector<1264x128xf32>
    %add3A = arith.addf %get3A_1, %get3A_4 : vector<1264x128xf32>
    %add3A_5 = arith.constant 1.000000e+00 : f32
    %add3A_6 = vector.broadcast %add3A_5 : f32 to vector<1264x128xf32>
    %add3A_7 = arith.addf %add3A, %add3A_6 : vector<1264x128xf32>
    %rsqrt3A = math.rsqrt %add3A_7 : vector<1264x128xf32>
    %swap3A = arith.constant 0 : index
    %swap3A_8 = arith.constant 0 : index
    %swap3A_9 = vector.load %arg5[%swap3A, %swap3A_8] : memref<1264x128xf32, #tpu.memory_space<vmem>>, vector<1264x128xf32>
    tpu.vector_store %arg5[%swap3A, %swap3A_8], %rsqrt3A {strides = array<i32>} : memref<1264x128xf32, #tpu.memory_space<vmem>>, vector<1264x128xf32>,
    %get3A_10 = arith.constant 0 : index
    %get3A_11 = arith.constant 0 : index
    %get3A_12 = vector.load %arg2[%get3A_10, %get3A_11] : memref<1264x1024xf32, #tpu.memory_space<vmem>>, vector<1264x1024xf32>
    %get3A_13 = arith.constant 0 : index
    %get3A_14 = arith.constant 0 : index
    %get3A_15 = vector.load %arg3[%get3A_13, %get3A_14] : memref<1024x128xf32, #tpu.memory_space<vmem>>, vector<1024x128xf32>
    %dot_general3A = arith.constant dense<0.000000e+00> : vector<1264x128xf32>
    %dot_general3A_16 = tpu.matmul %get3A_12, %get3A_15, %dot_general3A {dimension_numbers = #tpu.dot_dimension_numbers<[1], [0], [0], [1], [0, 0, 1, 1], [], []>, transpose_lhs_hint = false} : vector<1264x1024xf32>, vector<1024x128xf32>, vector<1264x128xf32> -> vector<1264x128xf32>
    %mul3A = arith.mulf %rsqrt3A, %dot_general3A_16 : vector<1264x128xf32>
    %swap3A_17 = arith.constant 0 : index
    %swap3A_18 = arith.constant 0 : index
    %swap3A_19 = vector.load %arg4[%swap3A_17, %swap3A_18] : memref<1264x128xf32, #tpu.memory_space<vmem>>, vector<1264x128xf32>
    tpu.vector_store %arg4[%swap3A_17, %swap3A_18], %mul3A {strides = array<i32>} : memref<1264x128xf32, #tpu.memory_space<vmem>>, vector<1264x128xf32>,
    return
  }
}

module attributes {stable_mosaic.version = 14 : i64} {
  func.func @_tc2_body(%arg0: memref<1264x128xf32, #tpu.memory_space<vmem>>, %arg1: memref<1264x128xf32, #tpu.memory_space<vmem>>, %arg2: memref<1264x128xf32, #tpu.memory_space<vmem>>, %arg3: memref<1264x128xf32, #tpu.memory_space<vmem>>, %arg4: memref<1x128xf32, #tpu.memory_space<vmem>>, %arg5: memref<1264x128xf32, #tpu.memory_space<vmem>>) attributes {dimension_semantics = [], scalar_prefetch = 0 : i64, scratch_operands = 0 : i64, tpu.core_type = #tpu.core_type<tc>} {
    %get3A = arith.constant 0 : index
    %get3A_0 = arith.constant 0 : index
    %get3A_1 = vector.load %arg3[%get3A, %get3A_0] : memref<1264x128xf32, #tpu.memory_space<vmem>>, vector<1264x128xf32>
    %get3A_2 = arith.constant 0 : index
    %get3A_3 = arith.constant 0 : index
    %get3A_4 = vector.load %arg0[%get3A_2, %get3A_3] : memref<1264x128xf32, #tpu.memory_space<vmem>>, vector<1264x128xf32>
    %get3A_5 = arith.constant 0 : index
    %get3A_6 = arith.constant 0 : index
    %get3A_7 = vector.load %arg1[%get3A_5, %get3A_6] : memref<1264x128xf32, #tpu.memory_space<vmem>>, vector<1264x128xf32>
    %add3A = arith.addf %get3A_4, %get3A_7 : vector<1264x128xf32>
    %get3A_8 = arith.constant 0 : index
    %get3A_9 = arith.constant 0 : index
    %get3A_10 = vector.load %arg2[%get3A_8, %get3A_9] : memref<1264x128xf32, #tpu.memory_space<vmem>>, vector<1264x128xf32>
    %add3A_11 = arith.addf %add3A, %get3A_10 : vector<1264x128xf32>
    %mul3A = arith.mulf %get3A_1, %add3A_11 : vector<1264x128xf32>
    %get3A_12 = arith.constant 0 : index
    %get3A_13 = arith.constant 0 : index
    %get3A_14 = vector.load %arg4[%get3A_12, %get3A_13] : memref<1x128xf32, #tpu.memory_space<vmem>>, vector<1x128xf32>
    %add3A_15 = vector.broadcast %get3A_14 : vector<1x128xf32> to vector<1264x128xf32>
    %add3A_16 = arith.addf %mul3A, %add3A_15 : vector<1264x128xf32>
    %max3A = arith.constant 0.000000e+00 : f32
    %max3A_17 = vector.broadcast %max3A : f32 to vector<1264x128xf32>
    %max3A_18 = arith.maximumf %add3A_16, %max3A_17 : vector<1264x128xf32>
    %mul3A_19 = arith.mulf %get3A_1, %max3A_18 : vector<1264x128xf32>
    %swap3A = arith.constant 0 : index
    %swap3A_20 = arith.constant 0 : index
    %swap3A_21 = vector.load %arg5[%swap3A, %swap3A_20] : memref<1264x128xf32, #tpu.memory_space<vmem>>, vector<1264x128xf32>
    tpu.vector_store %arg5[%swap3A, %swap3A_20], %mul3A_19 {strides = array<i32>} : memref<1264x128xf32, #tpu.memory_space<vmem>>, vector<1264x128xf32>,
    return
  }
}

module attributes {stable_mosaic.version = 14 : i64} {
  func.func @_tc3_body(%arg0: memref<1264x128xf32, #tpu.memory_space<vmem>>, %arg1: memref<1264x128xf32, #tpu.memory_space<vmem>>, %arg2: memref<1264x128xf32, #tpu.memory_space<vmem>>, %arg3: memref<1264x128xf32, #tpu.memory_space<vmem>>, %arg4: memref<128x512xf32, #tpu.memory_space<vmem>>, %arg5: memref<1x512xf32, #tpu.memory_space<vmem>>, %arg6: memref<512x512xf32, #tpu.memory_space<vmem>>, %arg7: memref<1264x512xf32, #tpu.memory_space<vmem>>) attributes {dimension_semantics = [], scalar_prefetch = 0 : i64, scratch_operands = 0 : i64, tpu.core_type = #tpu.core_type<tc>} {
    %get3A = arith.constant 0 : index
    %get3A_0 = arith.constant 0 : index
    %get3A_1 = vector.load %arg3[%get3A, %get3A_0] : memref<1264x128xf32, #tpu.memory_space<vmem>>, vector<1264x128xf32>
    %get3A_2 = arith.constant 0 : index
    %get3A_3 = arith.constant 0 : index
    %get3A_4 = vector.load %arg0[%get3A_2, %get3A_3] : memref<1264x128xf32, #tpu.memory_space<vmem>>, vector<1264x128xf32>
    %get3A_5 = arith.constant 0 : index
    %get3A_6 = arith.constant 0 : index
    %get3A_7 = vector.load %arg1[%get3A_5, %get3A_6] : memref<1264x128xf32, #tpu.memory_space<vmem>>, vector<1264x128xf32>
    %add3A = arith.addf %get3A_4, %get3A_7 : vector<1264x128xf32>
    %get3A_8 = arith.constant 0 : index
    %get3A_9 = arith.constant 0 : index
    %get3A_10 = vector.load %arg2[%get3A_8, %get3A_9] : memref<1264x128xf32, #tpu.memory_space<vmem>>, vector<1264x128xf32>
    %add3A_11 = arith.addf %add3A, %get3A_10 : vector<1264x128xf32>
    %mul3A = arith.mulf %get3A_1, %add3A_11 : vector<1264x128xf32>
    %get3A_12 = arith.constant 0 : index
    %get3A_13 = arith.constant 0 : index
    %get3A_14 = vector.load %arg4[%get3A_12, %get3A_13] : memref<128x512xf32, #tpu.memory_space<vmem>>, vector<128x512xf32>
    %dot_general3A = arith.constant dense<0.000000e+00> : vector<1264x512xf32>
    %dot_general3A_15 = tpu.matmul %mul3A, %get3A_14, %dot_general3A {dimension_numbers = #tpu.dot_dimension_numbers<[1], [0], [0], [1], [0, 0, 1, 1], [], []>, transpose_lhs_hint = false} : vector<1264x128xf32>, vector<128x512xf32>, vector<1264x512xf32> -> vector<1264x512xf32>
    %get3A_16 = arith.constant 0 : index
    %get3A_17 = arith.constant 0 : index
    %get3A_18 = vector.load %arg5[%get3A_16, %get3A_17] : memref<1x512xf32, #tpu.memory_space<vmem>>, vector<1x512xf32>
    %add3A_19 = vector.broadcast %get3A_18 : vector<1x512xf32> to vector<1264x512xf32>
    %add3A_20 = arith.addf %dot_general3A_15, %add3A_19 : vector<1264x512xf32>
    %exp3A = math.exp %add3A_20 : vector<1264x512xf32>
    %get3A_21 = arith.constant 0 : index
    %get3A_22 = arith.constant 0 : index
    %get3A_23 = vector.load %arg6[%get3A_21, %get3A_22] : memref<512x512xf32, #tpu.memory_space<vmem>>, vector<512x512xf32>
    %dot_general3A_24 = arith.constant dense<0.000000e+00> : vector<1264x512xf32>
    %dot_general3A_25 = tpu.matmul %exp3A, %get3A_23, %dot_general3A_24 {dimension_numbers = #tpu.dot_dimension_numbers<[1], [0], [0], [1], [0, 0, 1, 1], [], []>, transpose_lhs_hint = false} : vector<1264x512xf32>, vector<512x512xf32>, vector<1264x512xf32> -> vector<1264x512xf32>
    %log3A = math.log %dot_general3A_25 : vector<1264x512xf32>
    %sub3A = arith.subf %add3A_20, %log3A : vector<1264x512xf32>
    %swap3A = arith.constant 0 : index
    %swap3A_26 = arith.constant 0 : index
    %swap3A_27 = vector.load %arg7[%swap3A, %swap3A_26] : memref<1264x512xf32, #tpu.memory_space<vmem>>, vector<1264x512xf32>
    tpu.vector_store %arg7[%swap3A, %swap3A_26], %sub3A {strides = array<i32>} : memref<1264x512xf32, #tpu.memory_space<vmem>>, vector<1264x512xf32>,
    return
  }
}

</mosaic_0001>

<sc_bundles>
// kernel: kernel.12.cloned.1.call-start
scs
__scs_entry_jumppad:
0x0: {  	(pc) =	sbr.rel $0x88, $3  }
0x1: {  	(tag) =	ssettag $0x0;
	lr =	simm.s32 $0x1  }
0x2: {  	[smem:$0x3F9B] =	sst lr;
	_ =	strace $0xD0000000  }
0x3: {  	_ = 	snop  }
0x4: {  	_ = 	snop  }
0x5: {  	_ = 	snop  }
0x6: {  	_ = 	snop  }
0x7: {  	_ = 	snop  }
__scs_overlays_trampoline_lowered:
0x8: {  	[smem:$0x3FAA] =	sst s0  }
0x9: {  	[smem:$0x3FAB] =	sst s1  }
0xa: {  	[smem:$0x3FAC] =	sst s2  }
0xb: {  	[smem:$0x3FAD] =	sst s3  }
0xc: {  	[smem:$0x3FAE] =	sst s4  }
0xd: {  	[smem:$0x3FAF] =	sst s5  }
0xe: {  	[smem:$0x3FB0] =	sst s6  }
0xf: {  	[smem:$0x3FB1] =	sst s7  }
0x10: {  	[smem:$0x3FB2] =	sst s8  }
0x11: {  	[smem:$0x3FB3] =	sst s9;
	s0 =	simm.s32 @!p0 $0x0  }
0x12: {  	s1 =	sld [smem:$0x3F99];
	s0 =	simm.s32 @p0 $0x1  }
0x13: {  	[smem:$0x3FB4] =	sst s0;
	s0 =	simm.s32 @!p1 $0x0  }
0x14: {  	s2 =	sld [smem:$0x3F98];
	s0 =	simm.s32 @p1 $0x1  }
0x15: {  	[smem:$0x3FB5] =	sst s0;
	s0 =	simm.s32 @!p2 $0x0  }
0x16: {  	s3 =	sld [smem:$0x3FDB];
	s0 =	simm.s32 @p2 $0x1  }
0x17: {  	s4 =	simm.s32 $0x1BF5;
	[smem:$0x3FB7] =	sst s0  }
0x18: {  	s0 =	sld [smem:$0x3F9A];
	_ =	swait.ge [sflag:s4], $0x0  }
0x19: {  	s7 =	sld [smem:$0x3F9B]  }
0x1a: {  	s8 =	sadd.s32 $0xFFFFE003, lr  }
0x1b: {  	s9 =	sadd.s32 $0xFFFFFEF7, lr;
	s5 =	simm.s32 $0xFFFFFFFF;
	p2 =	slt.u32 s8, $0xFFFFF086  }
0x1c: {  	p1 =	slt.u32 s9, $0xF7A;
	s5 =	simm.s32 @!p2 $0x0  }
0x1d: {  	s5 =	simm.s32 @p1 $0x1;
	p0 =	seq.s32 s7, s2  }
0x1e: {  	s7 =	smul.u32 @!p0 $0xF7A, s2;
	p2 =	seq.s32 @!p0 s5, $0x0  }
0x1f: {  	s9 =	smul.u32 $0xF7A, s1;
	s8 =	simm.s32 @!p0 $0x1BF5;
	p2 =	por !p2, p0  }
0x20: {  	[sflag:s8] =	ssyncset.s32 @!p0 $0xFFFFF086;
	s6 =	sadd.s32 @!p0 s3, s7;
	s7 =	simm.s32 @!p0 $0x108  }
0x21: {  	s3 =	sadd.s32 s3, s9;
	s6 =	sadd.s32 @!p0 $0x88, s6;
	s7 =	simm.s32 @p2 $0x1082  }
0x22: {  	[simem:s7], [sflag:s8] =	dma.local @!p0 [hbm:s6], $0xF7A  }
0x23: {  	s9 =	sor.u32 $0xD0000000, s2;
	s6 =	simm.s32 $0x108;
	_ =	swait.ge @!p0 [sflag:s8], $0x0  }
0x24: {  	s3 =	sadd.s32 $0x88, s3;
	s6 =	simm.s32 @!p1 $0x1082;
	[sflag:s4] =	ssyncset.s32 $0xFFFFF086  }
0x25: {  	[simem:s6], [sflag:s4] =	dma.local [hbm:s3], $0xF7A  }
0x26: {  	[smem:$0x3F9B] =	sst s1;
	(tag) =	ssettag s2;
	_ =	strace s9  }
0x27: {  	s1 =	sld [smem:$0x3FAB]  }
0x28: {  	s2 =	sld [smem:$0x3FAC]  }
0x29: {  	s4 =	sld [smem:$0x3FAE]  }
0x2a: {  	p0 =	seq.s32 s5, $0x0;
	s5 =	sld [smem:$0x3FAF]  }
0x2b: {  	s6 =	sld [smem:$0x3FB0]  }
0x2c: {  	s7 =	sld [smem:$0x3FB1]  }
0x2d: {  	s3 =	simm.s32 $0x108;
	s8 =	sld [smem:$0x3FB2]  }
0x2e: {  	s3 =	simm.s32 @!p0 $0x1082;
	s9 =	sld [smem:$0x3FB3]  }
0x2f: {  	lr =	sadd.s32 s0, s3;
	s0 =	sld [smem:$0x3FAA]  }
0x30: {  	s3 =	sld [smem:$0x3FAD]  }
0x31: {  	[smem:$0x3FB6] =	sst s10  }
0x32: {  	s10 =	sld [smem:$0x3FB4];
	_ =	sdelay $0x3  }
0x33: {  	p0 =	seq.s32 s10, $0x1;
	s10 =	sld [smem:$0x3FB6];
	_ =	sdelay $0x3  }
0x34: {  	[smem:$0x3FB6] =	sst s10  }
0x35: {  	s10 =	sld [smem:$0x3FB5];
	_ =	sdelay $0x3  }
0x36: {  	p1 =	seq.s32 s10, $0x1;
	s10 =	sld [smem:$0x3FB6];
	_ =	sdelay $0x3  }
0x37: {  	[smem:$0x3FB6] =	sst s10  }
0x38: {  	s10 =	sld [smem:$0x3FB7]  }
0x39: {  	_ = 	snop;
	(pc) =	sbr.ind lr, $3  }
0x3a: {  	_ = 	snop  }
0x3b: {  	_ = 	snop  }
0x3c: {  	p2 =	seq.s32 s10, $0x1;
	s10 =	sld [smem:$0x3FB6]  }
0x3d: {  	_ =	shalt  }
0x3e: {  	_ =	shalt  }
0x3f: {  	_ =	shalt  }
0x40: {  	_ =	shalt  }
0x41: {  	_ =	shalt  }
0x42: {  	_ =	shalt  }
0x43: {  	_ =	shalt  }
0x44: {  	_ =	shalt  }
0x45: {  	_ =	shalt  }
0x46: {  	_ =	shalt  }
0x47: {  	_ =	shalt  }
0x48: {  	_ =	shalt  }
0x49: {  	_ =	shalt  }
0x4a: {  	_ =	shalt  }
0x4b: {  	_ =	shalt  }
0x4c: {  	_ =	shalt  }
0x4d: {  	_ =	shalt  }
0x4e: {  	_ =	shalt  }
0x4f: {  	_ =	shalt  }
0x50: {  	_ =	shalt  }
0x51: {  	_ =	shalt  }
0x52: {  	_ =	shalt  }
0x53: {  	_ =	shalt  }
0x54: {  	_ =	shalt  }
0x55: {  	_ =	shalt  }
0x56: {  	_ =	shalt  }
0x57: {  	_ =	shalt  }
0x58: {  	_ =	shalt  }
0x59: {  	_ =	shalt  }
0x5a: {  	_ =	shalt  }
0x5b: {  	_ =	shalt  }
0x5c: {  	_ =	shalt  }
0x5d: {  	_ =	shalt  }
0x5e: {  	_ =	shalt  }
0x5f: {  	_ =	shalt  }
0x60: {  	_ =	shalt  }
0x61: {  	_ =	shalt  }
0x62: {  	_ =	shalt  }
0x63: {  	_ =	shalt  }
0x64: {  	_ =	shalt  }
0x65: {  	_ =	shalt  }
0x66: {  	_ =	shalt  }
0x67: {  	_ =	shalt  }
0x68: {  	_ =	shalt  }
0x69: {  	_ =	shalt  }
0x6a: {  	_ =	shalt  }
0x6b: {  	_ =	shalt  }
0x6c: {  	_ =	shalt  }
0x6d: {  	_ =	shalt  }
0x6e: {  	_ =	shalt  }
0x6f: {  	_ =	shalt  }
0x70: {  	_ =	shalt  }
0x71: {  	_ =	shalt  }
0x72: {  	_ =	shalt  }
0x73: {  	_ =	shalt  }
0x74: {  	_ =	shalt  }
0x75: {  	_ =	shalt  }
0x76: {  	_ =	shalt  }
0x77: {  	_ =	shalt  }
0x78: {  	_ =	shalt  }
0x79: {  	_ =	shalt  }
0x7a: {  	_ =	shalt  }
0x7b: {  	_ =	shalt  }
0x7c: {  	_ =	shalt  }
0x7d: {  	_ =	shalt  }
0x7e: {  	_ =	shalt  }
0x7f: {  	_ =	shalt  }
0x80: {  	_ =	shalt  }
0x81: {  	_ =	shalt  }
0x82: {  	_ =	shalt  }
0x83: {  	_ =	shalt  }
0x84: {  	_ =	shalt  }
0x85: {  	_ =	shalt  }
0x86: {  	_ =	shalt  }
0x87: {  	_ =	shalt  }
.Lfunc_end0:
.L_simem_size_0:
called_computation.1_lowered:
.L_overlay_start_0:
0x88: {  	s2 =	sld [smem:$0x3FD9]  }
0x89: {  	s3 =	sld [smem:$0x3FFE];
	_ =	sdelay $0x1  }
0x8a: {  	s1 =	srdreg.scid  }
0x8b: {  	s0 =	sand.u32 $0x1, s1  }
0x8c: {  	s17 =	sshll.u32 s0, $0xA;
	s2 =	sadd.s32 s3, s2  }
0x8d: {  	s2 =	sadd.s32 s2, s17  }
0x8e: {  	[smem:$0x3FC2] =	sst s2  }
0x8f: {  	_ = 	snop  }
0x90: {  	s2 =	sld [smem:$0x3FD0];
	(tm) =	ssettm $0x1  }
0x91: {  	s18 =	sld [smem:$0x3FFB];
	_ =	sdelay $0x3  }
0x92: {  	_ =	strace s18  }
0x93: {  	s3 =	sld [smem:$0x3FFC];
	_ =	sdelay $0x3  }
0x94: {  	_ =	strace s3  }
0x95: {  	s3 =	sld [smem:$0x3FFD];
	_ =	sdelay $0x3  }
0x96: {  	_ =	strace s3  }
0x97: {  	_ =	strace $0x8FFFFFFF  }
0x98: {  	s19 =	sld [smem:$0x3FDB];
	_ =	sdelay $0x1  }
0x99: {  	s4 =	simm.s32 $_scs_section_size  }
0x9a: {  	s5 =	simm.s32 $_size__tile_overlayer_lowered;
	s6 =	simm.s32 $_tile_overlayer_lowered  }
0x9b: {  	s22 =	simm.s32 $0x1BFF;
	s21 =	sshll.u32 s6, $0x1;
	s3 =	sadd.s32 s4, s19  }
0x9c: {  	s7 =	simm.s32 $0x0;
	s20 =	sshll.u32 s5, $0x1;
	s5 =	sadd.s32 s21, s3  }
0x9d: {  	[timem:s7], [sflag:s22] =	dma.local [hbm:s5], s20  }
0x9e: {  	_ =	swait.ge [sflag:s22], s20  }
0x9f: {  	s4 =	ssub.s32 $0x0, s20;
	[sflag:s22] =	ssyncset.done $0x0  }
0xa0: {  	[sflag:s22] =	ssyncadd.s32 s4;
	_ =	sdelay $0x1  }
0xa1: {  	s23 =	simm.s32 $0x1B8B  }
0xa2: {  	_ =	swait.ge [sflag:s23], $0x1  }
0xa3: {  	[sflag:s23] =	ssyncset.done $0x0  }
0xa4: {  	s25 =	simm.s32 $0x1B8E;
	s24 =	sld [smem:$0x3FFE];
	[sflag:s23] =	ssyncadd.s32 $0xFFFFFFFF  }
0xa5: {  	s26 =	simm.s32 $execute0_lowered;
	[smem:$0x3FD2] =	sst s25  }
0xa6: {  	s5 =	sshll.u32 s26, $0x1;
	_ =	strace $0x80000049;
	[dreg:$0x1] =	wrdreg $0xFFFFFFFF  }
0xa7: {  	s28 =	simm.s32 $_size_execute0_lowered;
	s3 =	sadd.s32 s3, s5;
	[dreg:$0x0] =	wrdreg $0x0  }
0xa8: {  	s5 =	sshll.u32 s28, $0x1;
	[dreg:$0x2] =	wrdreg s3  }
0xa9: {  	[dreg:$0x3] =	wrdreg s5  }
0xaa: {  	[dreg:$0x4] =	wrdreg $0xC0  }
0xab: {  	_ =	task [dreg:s7], $0x5FFFF  }
0xac: {  	[dreg:$0x1] =	wrdreg $0xFFFFFFFF  }
0xad: {  	[dreg:$0x0] =	wrdreg $0x60  }
0xae: {  	[dreg:$0x2] =	wrdreg s24  }
0xaf: {  	[dreg:$0x3] =	wrdreg s2  }
0xb0: {  	[dreg:$0x4] =	wrdreg $0x87800  }
0xb1: {  	[dreg:$0x5] =	wrdreg $0xAF000  }
0xb2: {  	[dreg:$0x6] =	wrdreg $0x9  }
0xb3: {  	_ =	task.clear_ibuf [dreg:s7], $0x7FFFF;
	_ =	strace $0x90000049  }
0xb4: {  	s29 =	simm.s32 $0x9;
	_ =	strace $0x8000004B  }
0xb5: {  	_ =	swait.ge [sflag:s29], $0x1  }
0xb6: {  	[sflag:s29] =	ssyncadd.s32 $0xFFFFFFFF  }
0xb7: {  	_ =	strace $0x9000004B  }
0xb8: {  	_ =	sfence  }
0xb9: {  	s30 =	sld [smem:$0x0];
	_ =	sdelay $0x2  }
0xba: {  	s31 =	sshll.u32 s1, $0xD;
	s1 =	sshrl.u32 s1, $0x2  }
0xbb: {  	s3 =	sand.u32 $0x4000, s31;
	s1 =	sadd.s32 s1, s30  }
0xbc: {  	s0 =	sor.u32 s3, s0;
	s1 =	sshll.u32 s1, $0x11  }
0xbd: {  	s0 =	sor.u32 s1, s0  }
0xbe: {  	s0 =	sadd.s32 $0x8F2B, s0  }
0xbf: {  	[sflag:s0] =	ssyncadd.remote.s32 $0x1  }
0xc0: {  	_ =	sfence.sel $0xFFFF  }
0xc1: {  	[dreg:$0x0] =	wrdreg $0xFFFFFFFF;
	(pc) =	sbr.abs _section_cstart, $3  }
0xc2: {  	[dreg:$0x1] =	wrdreg $0xFFFFFFFF  }
0xc3: {  	_ =	task.clear_ibuf [dreg:s7], $0x2FFFF;
	_ =	strace $0x9FFFFFFF  }
0xc4: {  	(tm) =	ssettm $0x7FFFFFFF  }
0xc5: {  	_ =	shalt  }
tec
execute0_lowered:
.L_overlay_start_1:
0x0: {  	(tag) =	ssettag $0x1  }
0x1: {  	s5 =	rddreg [dreg:$0x0]  }
0x2: {  	s6 =	rddreg [dreg:$0x1]  }
0x3: {  	s1 =	rddreg [dreg:$0x2];
	s0 =	srdreg.scid  }
0x4: {  	s3 =	rddreg [dreg:$0x3];
	s2 =	stileid.u32;
	s4 =	simm.s32 $0x0  }
0x5: {  	s15 =	simm.s32 $0x6000;
	s16 =	simm.s32 $0x80;
	s17 =	simm.s32 $0x5000  }
0x6: {  	s18 =	simm.s32 $0x5800;
	s19 =	simm.s32 $0x1;
	s20 =	simm.s32 $0x2  }
0x7: {  	s21 =	simm.s32 $0x2780;
	s22 =	simm.s32 $0x4F00;
	s23 =	simm.s32 $0x4F80  }
0x8: {  	s24 =	simm.s32 $0x0;
	s7 =	sand.u32 $0x1, s0;
	s0 =	rddreg [dreg:$0x4]  }
0x9: {  	s9 =	smul.u32 $0x2780, s2;
	[smem:$0x7FF] =	sst s4;
	s31 =	sshll.u32 s2, $0x6  }
0xa: {  	s8 =	sshll.u32 s7, $0x4;
	_ =	strace $0x8000004A;
	s10 =	ssub.s32 $0x2, s7  }
0xb: {  	p0 =	seq.s32 s7, $0x1;
	s8 =	sor.u32 s2, s8;
	s11 =	sshrl.u32 s9, $0x3  }
0xc: {  	s13 =	sshrl.u32 s10, $0x1;
	s14 =	sadd.s32 s9, s1;
	s8 =	smul.u32 $0x500, s8  }
0xd: {  	s11 =	sadd.s32 s11, s5;
	s10 =	ssub.s32 s10, s13;
	s13 =	sor.u32 $0x1C03, s31  }
0xe: {  	s14 =	sshrl.u32 s14, $0x3;
	s7 =	sadd.s32 $0xE000, s11;
	s12 =	sadd.s32 s8, s5  }
0xf: {  	s6 =	sadd.s32 s6, s8;
	s5 =	sadd.s32 $0x4000, s12;
	s12 =	simm.s32 $0x18000  }
0x10: {  	s8 =	sadd.s32 s9, s3;
	s9 =	smax.u32 s10, $0x1;
	s12 =	simm.s32 @!p0 $0x13000  }
0x11: {  	v0 =	vimm.f32 $0.0e+00;
	s10 =	sadd.s32 s12, s11;
	s11 =	simm.s32 $0x3;
	s12 =	simm.s32 $0x2800  }
.LBB2_1:
0x12: {  	[tilespmem:s4], [sflag:$0x3] =	stream.linear.gather [hbm4b:s5+s4], $0x2800, $0x38;
	[tilespmem:$0xD680] =	vst v63  }
0x13: {  	_ =	swait.ge [sflag:s11], $0x2800  }
0x14: {  	[sflag:s11] =	ssyncset.done $0x0  }
0x15: {  	[sflag:s11] =	ssyncadd.s32 $0xFFFFD800  }
0x16: {  	[tilespmem:s12], [sflag:$0x3] =	stream.linear.gather [hbm4b:s6+s4], $0x2800, $0x38;
	[tilespmem:$0xD680] =	vst v63  }
0x17: {  	_ =	swait.ge [sflag:s11], $0x2800  }
0x18: {  	[sflag:s11] =	ssyncset.done $0x0  }
0x19: {  	[sflag:s11] =	ssyncadd.s32 $0xFFFFD800  }
0x1a: {  	[spmem:s14], [sflag:s13] =	dma.local [hbm:s7], $0x4F0  }
0x1b: {  	_ =	swait.ge [sflag:s11], $0x4F0  }
0x1c: {  	[sflag:s11] =	ssyncset.done $0x0  }
0x1d: {  	s25 =	simm.s32 $0x40;
	s26 =	simm.s32 $0x0;
	[sflag:s11] =	ssyncadd.s32 $0xFFFFFB10  }
.LBB2_2:
0x1e: {  	p0 =	sne.s32 s25, $0x9DC0;
	[tilespmem:s26+$0x6000] =	vst v0;
	s26 =	smov.u32 s25;
	s25 =	sadd.s32 $0x40, s25  }
.Ltmp0:
0x1f: {  	(pc) =	sbr.rel @p0 .LBB2_2-.Ltmp0, $2  }
0x20: {  	_ =	sdelay $0x2  }
0x21: {  	s26 =	sshra.s32 s26, $0x2  }
0x22: {  	[tilespmem:s26+$0x6000] =	vst v0  }
0x23: {  	[spmem:s8] =	stream.linear.scatter [tilespmem:s15], [sflag:$0x3], $0x2780, $0x38;
	[tilespmem:$0xD680] =	vst v63  }
0x24: {  	_ =	swait.ge [sflag:s11], $0x2780  }
0x25: {  	[sflag:s11] =	ssyncset.done $0x0  }
0x26: {  	[sflag:s11] =	ssyncadd.s32 $0xFFFFD880  }
0x27: {  	s25 =	simm.s32 $0x0;
	[bflag:$0x0] =	sbarrier.arrive $0xFFFF  }
0x28: {  	[tilespmem:s17], [sflag:$0x1] =	stream.indirect.gather [spmem:s1], $0x10, s25, s16, $0xb8;
	[tilespmem:$0xD680] =	vst v63  }
0x29: {  	s28 =	simm.s32 $0x80  }
0x2a: {  	[tilespmem:s18], [sflag:$0x2] =	stream.indirect.gather [spmem:s1], $0x10, s28, s16, $0xb8;
	[tilespmem:$0xD680] =	vst v63  }
0x2b: {  	_ =	swait.ge [sflag:s19], $0x800  }
0x2c: {  	[sflag:s19] =	ssyncset.done $0x0  }
0x2d: {  	s29 =	simm.s32 $0x2800;
	[sflag:s19] =	ssyncadd.s32 $0xFFFFF800  }
0x2e: {  	[spmem:s3] =	stream.indirect.scatter.add.f32 [tilespmem:s17], [sflag:$0x3], $0x10, s29, s16, $0xb8;
	[tilespmem:$0xD680] =	vst v63  }
0x2f: {  	_ =	swait.ge [sflag:s11], $0x800  }
0x30: {  	[sflag:s11] =	ssyncset.done $0x0  }
0x31: {  	s30 =	simm.s32 $0x100;
	[sflag:s11] =	ssyncadd.s32 $0xFFFFF800  }
0x32: {  	[tilespmem:s17], [sflag:$0x1] =	stream.indirect.gather [spmem:s1], $0x10, s30, s16, $0xb8;
	[tilespmem:$0xD680] =	vst v63  }
0x33: {  	_ =	swait.ge [sflag:s20], $0x800  }
0x34: {  	[sflag:s20] =	ssyncset.done $0x0  }
0x35: {  	s31 =	simm.s32 $0x2880;
	[sflag:s20] =	ssyncadd.s32 $0xFFFFF800  }
0x36: {  	[spmem:s3] =	stream.indirect.scatter.add.f32 [tilespmem:s18], [sflag:$0x3], $0x10, s31, s16, $0xb8;
	[tilespmem:$0xD680] =	vst v63  }
0x37: {  	_ =	swait.ge [sflag:s11], $0x800  }
0x38: {  	s26 =	simm.s32 $0x800;
	s25 =	simm.s32 $0x100;
	[sflag:s11] =	ssyncset.done $0x0  }
.LBB2_4:
0x39: {  	s28 =	sadd.s32 $0x80, s25  }
0x3a: {  	[sflag:s11] =	ssyncadd.s32 $0xFFFFF800;
	s29 =	smov.u32 s26;
	s30 =	sadd.s32 $0x400, s26  }
0x3b: {  	[tilespmem:s18], [sflag:$0x2] =	stream.indirect.gather [spmem:s1], $0x10, s28, s16, $0xb8;
	[tilespmem:$0xD680] =	vst v63  }
0x3c: {  	p0 =	sne.s32 s26, $0x9800;
	_ =	swait.ge [sflag:s19], $0x800  }
0x3d: {  	[sflag:s19] =	ssyncset.done $0x0  }
0x3e: {  	s26 =	sadd.s32 $0x2800, s25;
	[sflag:s19] =	ssyncadd.s32 $0xFFFFF800  }
0x3f: {  	[spmem:s3] =	stream.indirect.scatter.add.f32 [tilespmem:s17], [sflag:$0x3], $0x10, s26, s16, $0xb8;
	[tilespmem:$0xD680] =	vst v63  }
0x40: {  	_ =	swait.ge [sflag:s11], $0x800  }
0x41: {  	[sflag:s11] =	ssyncset.done $0x0  }
0x42: {  	s26 =	sadd.s32 $0x100, s25;
	[sflag:s11] =	ssyncadd.s32 $0xFFFFF800  }
0x43: {  	[tilespmem:s17], [sflag:$0x1] =	stream.indirect.gather [spmem:s1], $0x10, s26, s16, $0xb8;
	[tilespmem:$0xD680] =	vst v63  }
0x44: {  	_ =	swait.ge [sflag:s20], $0x800  }
.Ltmp1:
0x45: {  	[sflag:s20] =	ssyncset.done $0x0;
	(pc) =	sbr.rel @p0 .LBB2_4-.Ltmp1, $4  }
0x46: {  	s25 =	sadd.s32 $0x2880, s25;
	[sflag:s20] =	ssyncadd.s32 $0xFFFFF800  }
0x47: {  	[spmem:s3] =	stream.indirect.scatter.add.f32 [tilespmem:s18], [sflag:$0x3], $0x10, s25, s16, $0xb8;
	[tilespmem:$0xD680] =	vst v63  }
0x48: {  	_ =	swait.ge [sflag:s11], $0x800  }
0x49: {  	s26 =	smov.u32 s30;
	s25 =	sshra.s32 s29, $0x2;
	[sflag:s11] =	ssyncset.done $0x0  }
0x4a: {  	s26 =	sadd.s32 $0x80, s25;
	[sflag:s11] =	ssyncadd.s32 $0xFFFFF800  }
0x4b: {  	[tilespmem:s18], [sflag:$0x2] =	stream.indirect.gather [spmem:s1], $0x10, s26, s16, $0xb8;
	[tilespmem:$0xD680] =	vst v63  }
0x4c: {  	_ =	swait.ge [sflag:s19], $0x800  }
0x4d: {  	[sflag:s19] =	ssyncset.done $0x0  }
0x4e: {  	s28 =	sadd.s32 $0x2800, s25;
	[sflag:s19] =	ssyncadd.s32 $0xFFFFF800  }
0x4f: {  	[spmem:s3] =	stream.indirect.scatter.add.f32 [tilespmem:s17], [sflag:$0x3], $0x10, s28, s16, $0xb8;
	[tilespmem:$0xD680] =	vst v63  }
0x50: {  	_ =	swait.ge [sflag:s11], $0x800  }
0x51: {  	[sflag:s11] =	ssyncset.done $0x0  }
0x52: {  	s29 =	sadd.s32 $0x100, s25;
	[sflag:s11] =	ssyncadd.s32 $0xFFFFF800  }
0x53: {  	[tilespmem:s17], [sflag:$0x1] =	stream.indirect.gather [spmem:s1], $0x10, s29, s16, $0xb8;
	[tilespmem:$0xD680] =	vst v63  }
0x54: {  	_ =	swait.ge [sflag:s20], $0x800  }
0x55: {  	[sflag:s20] =	ssyncset.done $0x0  }
0x56: {  	s30 =	sadd.s32 $0x2880, s25;
	[sflag:s20] =	ssyncadd.s32 $0xFFFFF800  }
0x57: {  	[spmem:s3] =	stream.indirect.scatter.add.f32 [tilespmem:s18], [sflag:$0x3], $0x10, s30, s16, $0xb8;
	[tilespmem:$0xD680] =	vst v63  }
0x58: {  	_ =	swait.ge [sflag:s11], $0x800  }
0x59: {  	[sflag:s11] =	ssyncset.done $0x0  }
0x5a: {  	[sflag:s11] =	ssyncadd.s32 $0xFFFFF800  }
0x5b: {  	[tilespmem:s18], [sflag:$0x2] =	stream.indirect.gather [spmem:s1], $0x10, s21, s16, $0xb8;
	[tilespmem:$0xD680] =	vst v63  }
0x5c: {  	_ =	swait.ge [sflag:s19], $0x800  }
0x5d: {  	[sflag:s19] =	ssyncset.done $0x0  }
0x5e: {  	[sflag:s19] =	ssyncadd.s32 $0xFFFFF800  }
0x5f: {  	[spmem:s3] =	stream.indirect.scatter.add.f32 [tilespmem:s17], [sflag:$0x3], $0x10, s22, s16, $0xb8;
	[tilespmem:$0xD680] =	vst v63  }
0x60: {  	_ =	swait.ge [sflag:s11], $0x800  }
0x61: {  	[sflag:s11] =	ssyncset.done $0x0  }
0x62: {  	[sflag:s11] =	ssyncadd.s32 $0xFFFFF800  }
0x63: {  	_ =	swait.ge [sflag:s20], $0x800  }
0x64: {  	[sflag:s20] =	ssyncset.done $0x0  }
0x65: {  	[sflag:s20] =	ssyncadd.s32 $0xFFFFF800  }
0x66: {  	[spmem:s3] =	stream.indirect.scatter.add.f32 [tilespmem:s18], [sflag:$0x3], $0x10, s23, s16, $0xb8;
	[tilespmem:$0xD680] =	vst v63  }
0x67: {  	_ =	swait.ge [sflag:s11], $0x800  }
0x68: {  	s24 =	sadd.s32 $0x1, s24;
	[sflag:s11] =	ssyncset.done $0x0  }
0x69: {  	p0 =	sne.s32 s24, s9;
	[sflag:s11] =	ssyncadd.s32 $0xFFFFF800  }
.Ltmp2:
0x6a: {  	s31 =	sshrl.u32 s8, $0x3;
	[bflag:$0x0] =	sbarrier.arrive $0xFFFF;
	(pc) =	sbr.rel @p0 .LBB2_1-.Ltmp2, $4  }
0x6b: {  	[hbm:s10], [sflag:s13] =	dma.local [spmem:s31], $0x4F0  }
0x6c: {  	_ =	swait.ge [sflag:s11], $0x4F0  }
0x6d: {  	[sflag:s11] =	ssyncset.done $0x0  }
0x6e: {  	[sflag:s11] =	ssyncadd.s32 $0xFFFFFB10  }
0x6f: {  	_ =	sfence.sel $0x180000  }
0x70: {  	[bflag:$0x0] =	sbarrier.arrive $0xFFFF  }
0x71: {  	p0 =	sne.s32 s2, $0x0;
	_ =	strace $0x9000004A  }
0x72: {  	s0 =	sadd.s32 @!p0 $0x100000, s0;
	[bflag:$0x2] =	sbarrier.arrive $0xFFFF  }
0x73: {  	[sflag:s0] =	ssyncadd.tile.s32 @!p0 $0x1;
	_ =	shalt  }
.Lfunc_end2:
_tile_overlayer_lowered:
.L_overlay_start_2:
0x74: {  	(tag) =	ssettag $0x2  }
0x75: {  	s0 =	rddreg [dreg:$0x0];
	s2 =	stileid.u32  }
0x76: {  	s1 =	rddreg [dreg:$0x1];
	p0 =	sne.s32 s2, $0x0  }
0x77: {  	s3 =	rddreg [dreg:$0x2];
	[bflag:$0x3] =	sbarrier.arrive $0xFFFF;
	s2 =	simm.s32 @!p0 $0x1C03  }
0x78: {  	[timem:s3], [sflag:s2] =	dma.local @!p0 [hbm:s0], s1  }
0x79: {  	s0 =	simm.s32 @!p0 $0x3  }
0x7a: {  	_ =	swait.ge @!p0 [sflag:s0], s1  }
0x7b: {  	s1 =	ssub.s32 @!p0 $0x0, s1;
	[sflag:s0] =	ssyncset.done @!p0 $0x0  }
0x7c: {  	[sflag:s0] =	ssyncadd.s32 @!p0 s1  }
0x7d: {  	[bflag:$0x3] =	sbarrier.arrive $0xFFFF  }
0x7e: {  	_ =	shalt  }

// kernel: kernel.15.cloned.1.call-start
scs
__scs_entry_jumppad:
0x0: {  	(pc) =	sbr.rel $0x88, $3  }
0x1: {  	(tag) =	ssettag $0x0;
	lr =	simm.s32 $0x1  }
0x2: {  	[smem:$0x3F9B] =	sst lr;
	_ =	strace $0xD0000000  }
0x3: {  	_ = 	snop  }
0x4: {  	_ = 	snop  }
0x5: {  	_ = 	snop  }
0x6: {  	_ = 	snop  }
0x7: {  	_ = 	snop  }
__scs_overlays_trampoline_lowered:
0x8: {  	[smem:$0x3FAA] =	sst s0  }
0x9: {  	[smem:$0x3FAB] =	sst s1  }
0xa: {  	[smem:$0x3FAC] =	sst s2  }
0xb: {  	[smem:$0x3FAD] =	sst s3  }
0xc: {  	[smem:$0x3FAE] =	sst s4  }
0xd: {  	[smem:$0x3FAF] =	sst s5  }
0xe: {  	[smem:$0x3FB0] =	sst s6  }
0xf: {  	[smem:$0x3FB1] =	sst s7  }
0x10: {  	[smem:$0x3FB2] =	sst s8  }
0x11: {  	[smem:$0x3FB3] =	sst s9;
	s0 =	simm.s32 @!p0 $0x0  }
0x12: {  	s1 =	sld [smem:$0x3F99];
	s0 =	simm.s32 @p0 $0x1  }
0x13: {  	[smem:$0x3FB4] =	sst s0;
	s0 =	simm.s32 @!p1 $0x0  }
0x14: {  	s2 =	sld [smem:$0x3F98];
	s0 =	simm.s32 @p1 $0x1  }
0x15: {  	[smem:$0x3FB5] =	sst s0;
	s0 =	simm.s32 @!p2 $0x0  }
0x16: {  	s3 =	sld [smem:$0x3FDB];
	s0 =	simm.s32 @p2 $0x1  }
0x17: {  	s4 =	simm.s32 $0x1BF5;
	[smem:$0x3FB7] =	sst s0  }
0x18: {  	s0 =	sld [smem:$0x3F9A];
	_ =	swait.ge [sflag:s4], $0x0  }
0x19: {  	s7 =	sld [smem:$0x3F9B]  }
0x1a: {  	s8 =	sadd.s32 $0xFFFFE003, lr  }
0x1b: {  	s9 =	sadd.s32 $0xFFFFFEF7, lr;
	s5 =	simm.s32 $0xFFFFFFFF;
	p2 =	slt.u32 s8, $0xFFFFF086  }
0x1c: {  	p1 =	slt.u32 s9, $0xF7A;
	s5 =	simm.s32 @!p2 $0x0  }
0x1d: {  	s5 =	simm.s32 @p1 $0x1;
	p0 =	seq.s32 s7, s2  }
0x1e: {  	s7 =	smul.u32 @!p0 $0xF7A, s2;
	p2 =	seq.s32 @!p0 s5, $0x0  }
0x1f: {  	s9 =	smul.u32 $0xF7A, s1;
	s8 =	simm.s32 @!p0 $0x1BF5;
	p2 =	por !p2, p0  }
0x20: {  	[sflag:s8] =	ssyncset.s32 @!p0 $0xFFFFF086;
	s6 =	sadd.s32 @!p0 s3, s7;
	s7 =	simm.s32 @!p0 $0x108  }
0x21: {  	s3 =	sadd.s32 s3, s9;
	s6 =	sadd.s32 @!p0 $0x88, s6;
	s7 =	simm.s32 @p2 $0x1082  }
0x22: {  	[simem:s7], [sflag:s8] =	dma.local @!p0 [hbm:s6], $0xF7A  }
0x23: {  	s9 =	sor.u32 $0xD0000000, s2;
	s6 =	simm.s32 $0x108;
	_ =	swait.ge @!p0 [sflag:s8], $0x0  }
0x24: {  	s3 =	sadd.s32 $0x88, s3;
	s6 =	simm.s32 @!p1 $0x1082;
	[sflag:s4] =	ssyncset.s32 $0xFFFFF086  }
0x25: {  	[simem:s6], [sflag:s4] =	dma.local [hbm:s3], $0xF7A  }
0x26: {  	[smem:$0x3F9B] =	sst s1;
	(tag) =	ssettag s2;
	_ =	strace s9  }
0x27: {  	s1 =	sld [smem:$0x3FAB]  }
0x28: {  	s2 =	sld [smem:$0x3FAC]  }
0x29: {  	s4 =	sld [smem:$0x3FAE]  }
0x2a: {  	p0 =	seq.s32 s5, $0x0;
	s5 =	sld [smem:$0x3FAF]  }
0x2b: {  	s6 =	sld [smem:$0x3FB0]  }
0x2c: {  	s7 =	sld [smem:$0x3FB1]  }
0x2d: {  	s3 =	simm.s32 $0x108;
	s8 =	sld [smem:$0x3FB2]  }
0x2e: {  	s3 =	simm.s32 @!p0 $0x1082;
	s9 =	sld [smem:$0x3FB3]  }
0x2f: {  	lr =	sadd.s32 s0, s3;
	s0 =	sld [smem:$0x3FAA]  }
0x30: {  	s3 =	sld [smem:$0x3FAD]  }
0x31: {  	[smem:$0x3FB6] =	sst s10  }
0x32: {  	s10 =	sld [smem:$0x3FB4];
	_ =	sdelay $0x3  }
0x33: {  	p0 =	seq.s32 s10, $0x1;
	s10 =	sld [smem:$0x3FB6];
	_ =	sdelay $0x3  }
0x34: {  	[smem:$0x3FB6] =	sst s10  }
0x35: {  	s10 =	sld [smem:$0x3FB5];
	_ =	sdelay $0x3  }
0x36: {  	p1 =	seq.s32 s10, $0x1;
	s10 =	sld [smem:$0x3FB6];
	_ =	sdelay $0x3  }
0x37: {  	[smem:$0x3FB6] =	sst s10  }
0x38: {  	s10 =	sld [smem:$0x3FB7]  }
0x39: {  	_ = 	snop;
	(pc) =	sbr.ind lr, $3  }
0x3a: {  	_ = 	snop  }
0x3b: {  	_ = 	snop  }
0x3c: {  	p2 =	seq.s32 s10, $0x1;
	s10 =	sld [smem:$0x3FB6]  }
0x3d: {  	_ =	shalt  }
0x3e: {  	_ =	shalt  }
0x3f: {  	_ =	shalt  }
0x40: {  	_ =	shalt  }
0x41: {  	_ =	shalt  }
0x42: {  	_ =	shalt  }
0x43: {  	_ =	shalt  }
0x44: {  	_ =	shalt  }
0x45: {  	_ =	shalt  }
0x46: {  	_ =	shalt  }
0x47: {  	_ =	shalt  }
0x48: {  	_ =	shalt  }
0x49: {  	_ =	shalt  }
0x4a: {  	_ =	shalt  }
0x4b: {  	_ =	shalt  }
0x4c: {  	_ =	shalt  }
0x4d: {  	_ =	shalt  }
0x4e: {  	_ =	shalt  }
0x4f: {  	_ =	shalt  }
0x50: {  	_ =	shalt  }
0x51: {  	_ =	shalt  }
0x52: {  	_ =	shalt  }
0x53: {  	_ =	shalt  }
0x54: {  	_ =	shalt  }
0x55: {  	_ =	shalt  }
0x56: {  	_ =	shalt  }
0x57: {  	_ =	shalt  }
0x58: {  	_ =	shalt  }
0x59: {  	_ =	shalt  }
0x5a: {  	_ =	shalt  }
0x5b: {  	_ =	shalt  }
0x5c: {  	_ =	shalt  }
0x5d: {  	_ =	shalt  }
0x5e: {  	_ =	shalt  }
0x5f: {  	_ =	shalt  }
0x60: {  	_ =	shalt  }
0x61: {  	_ =	shalt  }
0x62: {  	_ =	shalt  }
0x63: {  	_ =	shalt  }
0x64: {  	_ =	shalt  }
0x65: {  	_ =	shalt  }
0x66: {  	_ =	shalt  }
0x67: {  	_ =	shalt  }
0x68: {  	_ =	shalt  }
0x69: {  	_ =	shalt  }
0x6a: {  	_ =	shalt  }
0x6b: {  	_ =	shalt  }
0x6c: {  	_ =	shalt  }
0x6d: {  	_ =	shalt  }
0x6e: {  	_ =	shalt  }
0x6f: {  	_ =	shalt  }
0x70: {  	_ =	shalt  }
0x71: {  	_ =	shalt  }
0x72: {  	_ =	shalt  }
0x73: {  	_ =	shalt  }
0x74: {  	_ =	shalt  }
0x75: {  	_ =	shalt  }
0x76: {  	_ =	shalt  }
0x77: {  	_ =	shalt  }
0x78: {  	_ =	shalt  }
0x79: {  	_ =	shalt  }
0x7a: {  	_ =	shalt  }
0x7b: {  	_ =	shalt  }
0x7c: {  	_ =	shalt  }
0x7d: {  	_ =	shalt  }
0x7e: {  	_ =	shalt  }
0x7f: {  	_ =	shalt  }
0x80: {  	_ =	shalt  }
0x81: {  	_ =	shalt  }
0x82: {  	_ =	shalt  }
0x83: {  	_ =	shalt  }
0x84: {  	_ =	shalt  }
0x85: {  	_ =	shalt  }
0x86: {  	_ =	shalt  }
0x87: {  	_ =	shalt  }
.Lfunc_end0:
.L_simem_size_0:
called_computation.2_lowered:
.L_overlay_start_0:
0x88: {  	s2 =	sld [smem:$0x3FD9]  }
0x89: {  	s3 =	sld [smem:$0x3FFE];
	_ =	sdelay $0x1  }
0x8a: {  	s1 =	srdreg.scid  }
0x8b: {  	s0 =	sand.u32 $0x1, s1  }
0x8c: {  	s17 =	sshll.u32 s0, $0xA;
	s2 =	sadd.s32 s3, s2  }
0x8d: {  	s2 =	sadd.s32 s2, s17  }
0x8e: {  	[smem:$0x3FC2] =	sst s2  }
0x8f: {  	_ = 	snop  }
0x90: {  	s2 =	sld [smem:$0x3FD0];
	(tm) =	ssettm $0x1  }
0x91: {  	s18 =	sld [smem:$0x3FFB];
	_ =	sdelay $0x3  }
0x92: {  	_ =	strace s18  }
0x93: {  	s3 =	sld [smem:$0x3FFC];
	_ =	sdelay $0x3  }
0x94: {  	_ =	strace s3  }
0x95: {  	s3 =	sld [smem:$0x3FFD];
	_ =	sdelay $0x3  }
0x96: {  	_ =	strace s3  }
0x97: {  	_ =	strace $0x8FFFFFFF  }
0x98: {  	s19 =	sld [smem:$0x3FDB];
	_ =	sdelay $0x1  }
0x99: {  	s4 =	simm.s32 $_scs_section_size  }
0x9a: {  	s5 =	simm.s32 $_size__tile_overlayer_lowered;
	s6 =	simm.s32 $_tile_overlayer_lowered  }
0x9b: {  	s22 =	simm.s32 $0x1BFF;
	s21 =	sshll.u32 s6, $0x1;
	s3 =	sadd.s32 s4, s19  }
0x9c: {  	s7 =	simm.s32 $0x0;
	s20 =	sshll.u32 s5, $0x1;
	s5 =	sadd.s32 s21, s3  }
0x9d: {  	[timem:s7], [sflag:s22] =	dma.local [hbm:s5], s20  }
0x9e: {  	_ =	swait.ge [sflag:s22], s20  }
0x9f: {  	s4 =	ssub.s32 $0x0, s20;
	[sflag:s22] =	ssyncset.done $0x0  }
0xa0: {  	[sflag:s22] =	ssyncadd.s32 s4;
	_ =	sdelay $0x1  }
0xa1: {  	s23 =	simm.s32 $0x1B8B  }
0xa2: {  	_ =	swait.ge [sflag:s23], $0x1  }
0xa3: {  	[sflag:s23] =	ssyncset.done $0x0  }
0xa4: {  	s25 =	simm.s32 $0x1B8E;
	s24 =	sld [smem:$0x3FFE];
	[sflag:s23] =	ssyncadd.s32 $0xFFFFFFFF  }
0xa5: {  	s26 =	simm.s32 $execute0_lowered;
	[smem:$0x3FD2] =	sst s25  }
0xa6: {  	s5 =	sshll.u32 s26, $0x1;
	_ =	strace $0x8000004C;
	[dreg:$0x1] =	wrdreg $0xFFFFFFFF  }
0xa7: {  	s28 =	simm.s32 $_size_execute0_lowered;
	s3 =	sadd.s32 s3, s5;
	[dreg:$0x0] =	wrdreg $0x0  }
0xa8: {  	s5 =	sshll.u32 s28, $0x1;
	[dreg:$0x2] =	wrdreg s3  }
0xa9: {  	[dreg:$0x3] =	wrdreg s5  }
0xaa: {  	[dreg:$0x4] =	wrdreg $0xC0  }
0xab: {  	_ =	task [dreg:s7], $0x5FFFF  }
0xac: {  	[dreg:$0x1] =	wrdreg $0xFFFFFFFF  }
0xad: {  	[dreg:$0x0] =	wrdreg $0x60  }
0xae: {  	[dreg:$0x2] =	wrdreg s24  }
0xaf: {  	[dreg:$0x3] =	wrdreg s2  }
0xb0: {  	[dreg:$0x4] =	wrdreg $0x87800  }
0xb1: {  	[dreg:$0x5] =	wrdreg $0xAF000  }
0xb2: {  	[dreg:$0x6] =	wrdreg $0x9  }
0xb3: {  	_ =	task.clear_ibuf [dreg:s7], $0x7FFFF;
	_ =	strace $0x9000004C  }
0xb4: {  	s29 =	simm.s32 $0x9;
	_ =	strace $0x8000004E  }
0xb5: {  	_ =	swait.ge [sflag:s29], $0x1  }
0xb6: {  	[sflag:s29] =	ssyncadd.s32 $0xFFFFFFFF  }
0xb7: {  	_ =	strace $0x9000004E  }
0xb8: {  	_ =	sfence  }
0xb9: {  	s30 =	sld [smem:$0x0];
	_ =	sdelay $0x2  }
0xba: {  	s31 =	sshll.u32 s1, $0xD;
	s1 =	sshrl.u32 s1, $0x2  }
0xbb: {  	s3 =	sand.u32 $0x4000, s31;
	s1 =	sadd.s32 s1, s30  }
0xbc: {  	s0 =	sor.u32 s3, s0;
	s1 =	sshll.u32 s1, $0x11  }
0xbd: {  	s0 =	sor.u32 s1, s0  }
0xbe: {  	s0 =	sadd.s32 $0x8F2B, s0  }
0xbf: {  	[sflag:s0] =	ssyncadd.remote.s32 $0x1  }
0xc0: {  	_ =	sfence.sel $0xFFFF  }
0xc1: {  	[dreg:$0x0] =	wrdreg $0xFFFFFFFF;
	(pc) =	sbr.abs _section_cstart, $3  }
0xc2: {  	[dreg:$0x1] =	wrdreg $0xFFFFFFFF  }
0xc3: {  	_ =	task.clear_ibuf [dreg:s7], $0x2FFFF;
	_ =	strace $0x9FFFFFFF  }
0xc4: {  	(tm) =	ssettm $0x7FFFFFFF  }
0xc5: {  	_ =	shalt  }
tec
execute0_lowered:
.L_overlay_start_1:
0x0: {  	(tag) =	ssettag $0x1  }
0x1: {  	s5 =	rddreg [dreg:$0x0]  }
0x2: {  	s6 =	rddreg [dreg:$0x1]  }
0x3: {  	s1 =	rddreg [dreg:$0x2];
	s0 =	srdreg.scid  }
0x4: {  	s3 =	rddreg [dreg:$0x3];
	s2 =	stileid.u32;
	s4 =	simm.s32 $0x0  }
0x5: {  	s15 =	simm.s32 $0x6000;
	s16 =	simm.s32 $0x80;
	s17 =	simm.s32 $0x5000  }
0x6: {  	s18 =	simm.s32 $0x5800;
	s19 =	simm.s32 $0x1;
	s20 =	simm.s32 $0x2  }
0x7: {  	s21 =	simm.s32 $0x2780;
	s22 =	simm.s32 $0x4F00;
	s23 =	simm.s32 $0x4F80  }
0x8: {  	s24 =	simm.s32 $0x0;
	s7 =	sand.u32 $0x1, s0;
	s0 =	rddreg [dreg:$0x4]  }
0x9: {  	s9 =	smul.u32 $0x2780, s2;
	[smem:$0x7FF] =	sst s4;
	s31 =	sshll.u32 s2, $0x6  }
0xa: {  	s8 =	sshll.u32 s7, $0x4;
	_ =	strace $0x8000004D;
	s10 =	ssub.s32 $0x2, s7  }
0xb: {  	p0 =	seq.s32 s7, $0x1;
	s8 =	sor.u32 s2, s8;
	s11 =	sshrl.u32 s9, $0x3  }
0xc: {  	s13 =	sshrl.u32 s10, $0x1;
	s14 =	sadd.s32 s9, s1;
	s8 =	smul.u32 $0x500, s8  }
0xd: {  	s11 =	sadd.s32 s11, s5;
	s10 =	ssub.s32 s10, s13;
	s13 =	sor.u32 $0x1C03, s31  }
0xe: {  	s14 =	sshrl.u32 s14, $0x3;
	s7 =	sadd.s32 $0xE000, s11;
	s12 =	sadd.s32 s8, s5  }
0xf: {  	s6 =	sadd.s32 s6, s8;
	s5 =	sadd.s32 $0x4000, s12;
	s12 =	simm.s32 $0x18000  }
0x10: {  	s8 =	sadd.s32 s9, s3;
	s9 =	smax.u32 s10, $0x1;
	s12 =	simm.s32 @!p0 $0x13000  }
0x11: {  	v0 =	vimm.f32 $0.0e+00;
	s10 =	sadd.s32 s12, s11;
	s11 =	simm.s32 $0x3;
	s12 =	simm.s32 $0x2800  }
.LBB2_1:
0x12: {  	[tilespmem:s4], [sflag:$0x3] =	stream.linear.gather [hbm4b:s5+s4], $0x2800, $0x38;
	[tilespmem:$0xD680] =	vst v63  }
0x13: {  	_ =	swait.ge [sflag:s11], $0x2800  }
0x14: {  	[sflag:s11] =	ssyncset.done $0x0  }
0x15: {  	[sflag:s11] =	ssyncadd.s32 $0xFFFFD800  }
0x16: {  	[tilespmem:s12], [sflag:$0x3] =	stream.linear.gather [hbm4b:s6+s4], $0x2800, $0x38;
	[tilespmem:$0xD680] =	vst v63  }
0x17: {  	_ =	swait.ge [sflag:s11], $0x2800  }
0x18: {  	[sflag:s11] =	ssyncset.done $0x0  }
0x19: {  	[sflag:s11] =	ssyncadd.s32 $0xFFFFD800  }
0x1a: {  	[spmem:s14], [sflag:s13] =	dma.local [hbm:s7], $0x4F0  }
0x1b: {  	_ =	swait.ge [sflag:s11], $0x4F0  }
0x1c: {  	[sflag:s11] =	ssyncset.done $0x0  }
0x1d: {  	s25 =	simm.s32 $0x40;
	s26 =	simm.s32 $0x0;
	[sflag:s11] =	ssyncadd.s32 $0xFFFFFB10  }
.LBB2_2:
0x1e: {  	p0 =	sne.s32 s25, $0x9DC0;
	[tilespmem:s26+$0x6000] =	vst v0;
	s26 =	smov.u32 s25;
	s25 =	sadd.s32 $0x40, s25  }
.Ltmp0:
0x1f: {  	(pc) =	sbr.rel @p0 .LBB2_2-.Ltmp0, $2  }
0x20: {  	_ =	sdelay $0x2  }
0x21: {  	s26 =	sshra.s32 s26, $0x2  }
0x22: {  	[tilespmem:s26+$0x6000] =	vst v0  }
0x23: {  	[spmem:s8] =	stream.linear.scatter [tilespmem:s15], [sflag:$0x3], $0x2780, $0x38;
	[tilespmem:$0xD680] =	vst v63  }
0x24: {  	_ =	swait.ge [sflag:s11], $0x2780  }
0x25: {  	[sflag:s11] =	ssyncset.done $0x0  }
0x26: {  	[sflag:s11] =	ssyncadd.s32 $0xFFFFD880  }
0x27: {  	s25 =	simm.s32 $0x0;
	[bflag:$0x0] =	sbarrier.arrive $0xFFFF  }
0x28: {  	[tilespmem:s17], [sflag:$0x1] =	stream.indirect.gather [spmem:s1], $0x10, s25, s16, $0xb8;
	[tilespmem:$0xD680] =	vst v63  }
0x29: {  	s28 =	simm.s32 $0x80  }
0x2a: {  	[tilespmem:s18], [sflag:$0x2] =	stream.indirect.gather [spmem:s1], $0x10, s28, s16, $0xb8;
	[tilespmem:$0xD680] =	vst v63  }
0x2b: {  	_ =	swait.ge [sflag:s19], $0x800  }
0x2c: {  	[sflag:s19] =	ssyncset.done $0x0  }
0x2d: {  	s29 =	simm.s32 $0x2800;
	[sflag:s19] =	ssyncadd.s32 $0xFFFFF800  }
0x2e: {  	[spmem:s3] =	stream.indirect.scatter.add.f32 [tilespmem:s17], [sflag:$0x3], $0x10, s29, s16, $0xb8;
	[tilespmem:$0xD680] =	vst v63  }
0x2f: {  	_ =	swait.ge [sflag:s11], $0x800  }
0x30: {  	[sflag:s11] =	ssyncset.done $0x0  }
0x31: {  	s30 =	simm.s32 $0x100;
	[sflag:s11] =	ssyncadd.s32 $0xFFFFF800  }
0x32: {  	[tilespmem:s17], [sflag:$0x1] =	stream.indirect.gather [spmem:s1], $0x10, s30, s16, $0xb8;
	[tilespmem:$0xD680] =	vst v63  }
0x33: {  	_ =	swait.ge [sflag:s20], $0x800  }
0x34: {  	[sflag:s20] =	ssyncset.done $0x0  }
0x35: {  	s31 =	simm.s32 $0x2880;
	[sflag:s20] =	ssyncadd.s32 $0xFFFFF800  }
0x36: {  	[spmem:s3] =	stream.indirect.scatter.add.f32 [tilespmem:s18], [sflag:$0x3], $0x10, s31, s16, $0xb8;
	[tilespmem:$0xD680] =	vst v63  }
0x37: {  	_ =	swait.ge [sflag:s11], $0x800  }
0x38: {  	s26 =	simm.s32 $0x800;
	s25 =	simm.s32 $0x100;
	[sflag:s11] =	ssyncset.done $0x0  }
.LBB2_4:
0x39: {  	s28 =	sadd.s32 $0x80, s25  }
0x3a: {  	[sflag:s11] =	ssyncadd.s32 $0xFFFFF800;
	s29 =	smov.u32 s26;
	s30 =	sadd.s32 $0x400, s26  }
0x3b: {  	[tilespmem:s18], [sflag:$0x2] =	stream.indirect.gather [spmem:s1], $0x10, s28, s16, $0xb8;
	[tilespmem:$0xD680] =	vst v63  }
0x3c: {  	p0 =	sne.s32 s26, $0x9800;
	_ =	swait.ge [sflag:s19], $0x800  }
0x3d: {  	[sflag:s19] =	ssyncset.done $0x0  }
0x3e: {  	s26 =	sadd.s32 $0x2800, s25;
	[sflag:s19] =	ssyncadd.s32 $0xFFFFF800  }
0x3f: {  	[spmem:s3] =	stream.indirect.scatter.add.f32 [tilespmem:s17], [sflag:$0x3], $0x10, s26, s16, $0xb8;
	[tilespmem:$0xD680] =	vst v63  }
0x40: {  	_ =	swait.ge [sflag:s11], $0x800  }
0x41: {  	[sflag:s11] =	ssyncset.done $0x0  }
0x42: {  	s26 =	sadd.s32 $0x100, s25;
	[sflag:s11] =	ssyncadd.s32 $0xFFFFF800  }
0x43: {  	[tilespmem:s17], [sflag:$0x1] =	stream.indirect.gather [spmem:s1], $0x10, s26, s16, $0xb8;
	[tilespmem:$0xD680] =	vst v63  }
0x44: {  	_ =	swait.ge [sflag:s20], $0x800  }
.Ltmp1:
0x45: {  	[sflag:s20] =	ssyncset.done $0x0;
	(pc) =	sbr.rel @p0 .LBB2_4-.Ltmp1, $4  }
0x46: {  	s25 =	sadd.s32 $0x2880, s25;
	[sflag:s20] =	ssyncadd.s32 $0xFFFFF800  }
0x47: {  	[spmem:s3] =	stream.indirect.scatter.add.f32 [tilespmem:s18], [sflag:$0x3], $0x10, s25, s16, $0xb8;
	[tilespmem:$0xD680] =	vst v63  }
0x48: {  	_ =	swait.ge [sflag:s11], $0x800  }
0x49: {  	s26 =	smov.u32 s30;
	s25 =	sshra.s32 s29, $0x2;
	[sflag:s11] =	ssyncset.done $0x0  }
0x4a: {  	s26 =	sadd.s32 $0x80, s25;
	[sflag:s11] =	ssyncadd.s32 $0xFFFFF800  }
0x4b: {  	[tilespmem:s18], [sflag:$0x2] =	stream.indirect.gather [spmem:s1], $0x10, s26, s16, $0xb8;
	[tilespmem:$0xD680] =	vst v63  }
0x4c: {  	_ =	swait.ge [sflag:s19], $0x800  }
0x4d: {  	[sflag:s19] =	ssyncset.done $0x0  }
0x4e: {  	s28 =	sadd.s32 $0x2800, s25;
	[sflag:s19] =	ssyncadd.s32 $0xFFFFF800  }
0x4f: {  	[spmem:s3] =	stream.indirect.scatter.add.f32 [tilespmem:s17], [sflag:$0x3], $0x10, s28, s16, $0xb8;
	[tilespmem:$0xD680] =	vst v63  }
0x50: {  	_ =	swait.ge [sflag:s11], $0x800  }
0x51: {  	[sflag:s11] =	ssyncset.done $0x0  }
0x52: {  	s29 =	sadd.s32 $0x100, s25;
	[sflag:s11] =	ssyncadd.s32 $0xFFFFF800  }
0x53: {  	[tilespmem:s17], [sflag:$0x1] =	stream.indirect.gather [spmem:s1], $0x10, s29, s16, $0xb8;
	[tilespmem:$0xD680] =	vst v63  }
0x54: {  	_ =	swait.ge [sflag:s20], $0x800  }
0x55: {  	[sflag:s20] =	ssyncset.done $0x0  }
0x56: {  	s30 =	sadd.s32 $0x2880, s25;
	[sflag:s20] =	ssyncadd.s32 $0xFFFFF800  }
0x57: {  	[spmem:s3] =	stream.indirect.scatter.add.f32 [tilespmem:s18], [sflag:$0x3], $0x10, s30, s16, $0xb8;
	[tilespmem:$0xD680] =	vst v63  }
0x58: {  	_ =	swait.ge [sflag:s11], $0x800  }
0x59: {  	[sflag:s11] =	ssyncset.done $0x0  }
0x5a: {  	[sflag:s11] =	ssyncadd.s32 $0xFFFFF800  }
0x5b: {  	[tilespmem:s18], [sflag:$0x2] =	stream.indirect.gather [spmem:s1], $0x10, s21, s16, $0xb8;
	[tilespmem:$0xD680] =	vst v63  }
0x5c: {  	_ =	swait.ge [sflag:s19], $0x800  }
0x5d: {  	[sflag:s19] =	ssyncset.done $0x0  }
0x5e: {  	[sflag:s19] =	ssyncadd.s32 $0xFFFFF800  }
0x5f: {  	[spmem:s3] =	stream.indirect.scatter.add.f32 [tilespmem:s17], [sflag:$0x3], $0x10, s22, s16, $0xb8;
	[tilespmem:$0xD680] =	vst v63  }
0x60: {  	_ =	swait.ge [sflag:s11], $0x800  }
0x61: {  	[sflag:s11] =	ssyncset.done $0x0  }
0x62: {  	[sflag:s11] =	ssyncadd.s32 $0xFFFFF800  }
0x63: {  	_ =	swait.ge [sflag:s20], $0x800  }
0x64: {  	[sflag:s20] =	ssyncset.done $0x0  }
0x65: {  	[sflag:s20] =	ssyncadd.s32 $0xFFFFF800  }
0x66: {  	[spmem:s3] =	stream.indirect.scatter.add.f32 [tilespmem:s18], [sflag:$0x3], $0x10, s23, s16, $0xb8;
	[tilespmem:$0xD680] =	vst v63  }
0x67: {  	_ =	swait.ge [sflag:s11], $0x800  }
0x68: {  	s24 =	sadd.s32 $0x1, s24;
	[sflag:s11] =	ssyncset.done $0x0  }
0x69: {  	p0 =	sne.s32 s24, s9;
	[sflag:s11] =	ssyncadd.s32 $0xFFFFF800  }
.Ltmp2:
0x6a: {  	s31 =	sshrl.u32 s8, $0x3;
	[bflag:$0x0] =	sbarrier.arrive $0xFFFF;
	(pc) =	sbr.rel @p0 .LBB2_1-.Ltmp2, $4  }
0x6b: {  	[hbm:s10], [sflag:s13] =	dma.local [spmem:s31], $0x4F0  }
0x6c: {  	_ =	swait.ge [sflag:s11], $0x4F0  }
0x6d: {  	[sflag:s11] =	ssyncset.done $0x0  }
0x6e: {  	[sflag:s11] =	ssyncadd.s32 $0xFFFFFB10  }
0x6f: {  	_ =	sfence.sel $0x180000  }
0x70: {  	[bflag:$0x0] =	sbarrier.arrive $0xFFFF  }
0x71: {  	p0 =	sne.s32 s2, $0x0;
	_ =	strace $0x9000004D  }
0x72: {  	s0 =	sadd.s32 @!p0 $0x100000, s0;
	[bflag:$0x2] =	sbarrier.arrive $0xFFFF  }
0x73: {  	[sflag:s0] =	ssyncadd.tile.s32 @!p0 $0x1;
	_ =	shalt  }
.Lfunc_end2:
_tile_overlayer_lowered:
.L_overlay_start_2:
0x74: {  	(tag) =	ssettag $0x2  }
0x75: {  	s0 =	rddreg [dreg:$0x0];
	s2 =	stileid.u32  }
0x76: {  	s1 =	rddreg [dreg:$0x1];
	p0 =	sne.s32 s2, $0x0  }
0x77: {  	s3 =	rddreg [dreg:$0x2];
	[bflag:$0x3] =	sbarrier.arrive $0xFFFF;
	s2 =	simm.s32 @!p0 $0x1C03  }
0x78: {  	[timem:s3], [sflag:s2] =	dma.local @!p0 [hbm:s0], s1  }
0x79: {  	s0 =	simm.s32 @!p0 $0x3  }
0x7a: {  	_ =	swait.ge @!p0 [sflag:s0], s1  }
0x7b: {  	s1 =	ssub.s32 @!p0 $0x0, s1;
	[sflag:s0] =	ssyncset.done @!p0 $0x0  }
0x7c: {  	[sflag:s0] =	ssyncadd.s32 @!p0 s1  }
0x7d: {  	[bflag:$0x3] =	sbarrier.arrive $0xFFFF  }
0x7e: {  	_ =	shalt  }

// kernel: kernel.9.cloned.1.call-start
scs
__scs_entry_jumppad:
0x0: {  	(pc) =	sbr.rel $0x88, $3  }
0x1: {  	(tag) =	ssettag $0x0;
	lr =	simm.s32 $0x1  }
0x2: {  	[smem:$0x3F9B] =	sst lr;
	_ =	strace $0xD0000000  }
0x3: {  	_ = 	snop  }
0x4: {  	_ = 	snop  }
0x5: {  	_ = 	snop  }
0x6: {  	_ = 	snop  }
0x7: {  	_ = 	snop  }
__scs_overlays_trampoline_lowered:
0x8: {  	[smem:$0x3FAA] =	sst s0  }
0x9: {  	[smem:$0x3FAB] =	sst s1  }
0xa: {  	[smem:$0x3FAC] =	sst s2  }
0xb: {  	[smem:$0x3FAD] =	sst s3  }
0xc: {  	[smem:$0x3FAE] =	sst s4  }
0xd: {  	[smem:$0x3FAF] =	sst s5  }
0xe: {  	[smem:$0x3FB0] =	sst s6  }
0xf: {  	[smem:$0x3FB1] =	sst s7  }
0x10: {  	[smem:$0x3FB2] =	sst s8  }
0x11: {  	[smem:$0x3FB3] =	sst s9;
	s0 =	simm.s32 @!p0 $0x0  }
0x12: {  	s1 =	sld [smem:$0x3F99];
	s0 =	simm.s32 @p0 $0x1  }
0x13: {  	[smem:$0x3FB4] =	sst s0;
	s0 =	simm.s32 @!p1 $0x0  }
0x14: {  	s2 =	sld [smem:$0x3F98];
	s0 =	simm.s32 @p1 $0x1  }
0x15: {  	[smem:$0x3FB5] =	sst s0;
	s0 =	simm.s32 @!p2 $0x0  }
0x16: {  	s3 =	sld [smem:$0x3FDB];
	s0 =	simm.s32 @p2 $0x1  }
0x17: {  	s4 =	simm.s32 $0x1BF5;
	[smem:$0x3FB7] =	sst s0  }
0x18: {  	s0 =	sld [smem:$0x3F9A];
	_ =	swait.ge [sflag:s4], $0x0  }
0x19: {  	s7 =	sld [smem:$0x3F9B]  }
0x1a: {  	s8 =	sadd.s32 $0xFFFFE003, lr  }
0x1b: {  	s9 =	sadd.s32 $0xFFFFFEF7, lr;
	s5 =	simm.s32 $0xFFFFFFFF;
	p2 =	slt.u32 s8, $0xFFFFF086  }
0x1c: {  	p1 =	slt.u32 s9, $0xF7A;
	s5 =	simm.s32 @!p2 $0x0  }
0x1d: {  	s5 =	simm.s32 @p1 $0x1;
	p0 =	seq.s32 s7, s2  }
0x1e: {  	s7 =	smul.u32 @!p0 $0xF7A, s2;
	p2 =	seq.s32 @!p0 s5, $0x0  }
0x1f: {  	s9 =	smul.u32 $0xF7A, s1;
	s8 =	simm.s32 @!p0 $0x1BF5;
	p2 =	por !p2, p0  }
0x20: {  	[sflag:s8] =	ssyncset.s32 @!p0 $0xFFFFF086;
	s6 =	sadd.s32 @!p0 s3, s7;
	s7 =	simm.s32 @!p0 $0x108  }
0x21: {  	s3 =	sadd.s32 s3, s9;
	s6 =	sadd.s32 @!p0 $0x88, s6;
	s7 =	simm.s32 @p2 $0x1082  }
0x22: {  	[simem:s7], [sflag:s8] =	dma.local @!p0 [hbm:s6], $0xF7A  }
0x23: {  	s9 =	sor.u32 $0xD0000000, s2;
	s6 =	simm.s32 $0x108;
	_ =	swait.ge @!p0 [sflag:s8], $0x0  }
0x24: {  	s3 =	sadd.s32 $0x88, s3;
	s6 =	simm.s32 @!p1 $0x1082;
	[sflag:s4] =	ssyncset.s32 $0xFFFFF086  }
0x25: {  	[simem:s6], [sflag:s4] =	dma.local [hbm:s3], $0xF7A  }
0x26: {  	[smem:$0x3F9B] =	sst s1;
	(tag) =	ssettag s2;
	_ =	strace s9  }
0x27: {  	s1 =	sld [smem:$0x3FAB]  }
0x28: {  	s2 =	sld [smem:$0x3FAC]  }
0x29: {  	s4 =	sld [smem:$0x3FAE]  }
0x2a: {  	p0 =	seq.s32 s5, $0x0;
	s5 =	sld [smem:$0x3FAF]  }
0x2b: {  	s6 =	sld [smem:$0x3FB0]  }
0x2c: {  	s7 =	sld [smem:$0x3FB1]  }
0x2d: {  	s3 =	simm.s32 $0x108;
	s8 =	sld [smem:$0x3FB2]  }
0x2e: {  	s3 =	simm.s32 @!p0 $0x1082;
	s9 =	sld [smem:$0x3FB3]  }
0x2f: {  	lr =	sadd.s32 s0, s3;
	s0 =	sld [smem:$0x3FAA]  }
0x30: {  	s3 =	sld [smem:$0x3FAD]  }
0x31: {  	[smem:$0x3FB6] =	sst s10  }
0x32: {  	s10 =	sld [smem:$0x3FB4];
	_ =	sdelay $0x3  }
0x33: {  	p0 =	seq.s32 s10, $0x1;
	s10 =	sld [smem:$0x3FB6];
	_ =	sdelay $0x3  }
0x34: {  	[smem:$0x3FB6] =	sst s10  }
0x35: {  	s10 =	sld [smem:$0x3FB5];
	_ =	sdelay $0x3  }
0x36: {  	p1 =	seq.s32 s10, $0x1;
	s10 =	sld [smem:$0x3FB6];
	_ =	sdelay $0x3  }
0x37: {  	[smem:$0x3FB6] =	sst s10  }
0x38: {  	s10 =	sld [smem:$0x3FB7]  }
0x39: {  	_ = 	snop;
	(pc) =	sbr.ind lr, $3  }
0x3a: {  	_ = 	snop  }
0x3b: {  	_ = 	snop  }
0x3c: {  	p2 =	seq.s32 s10, $0x1;
	s10 =	sld [smem:$0x3FB6]  }
0x3d: {  	_ =	shalt  }
0x3e: {  	_ =	shalt  }
0x3f: {  	_ =	shalt  }
0x40: {  	_ =	shalt  }
0x41: {  	_ =	shalt  }
0x42: {  	_ =	shalt  }
0x43: {  	_ =	shalt  }
0x44: {  	_ =	shalt  }
0x45: {  	_ =	shalt  }
0x46: {  	_ =	shalt  }
0x47: {  	_ =	shalt  }
0x48: {  	_ =	shalt  }
0x49: {  	_ =	shalt  }
0x4a: {  	_ =	shalt  }
0x4b: {  	_ =	shalt  }
0x4c: {  	_ =	shalt  }
0x4d: {  	_ =	shalt  }
0x4e: {  	_ =	shalt  }
0x4f: {  	_ =	shalt  }
0x50: {  	_ =	shalt  }
0x51: {  	_ =	shalt  }
0x52: {  	_ =	shalt  }
0x53: {  	_ =	shalt  }
0x54: {  	_ =	shalt  }
0x55: {  	_ =	shalt  }
0x56: {  	_ =	shalt  }
0x57: {  	_ =	shalt  }
0x58: {  	_ =	shalt  }
0x59: {  	_ =	shalt  }
0x5a: {  	_ =	shalt  }
0x5b: {  	_ =	shalt  }
0x5c: {  	_ =	shalt  }
0x5d: {  	_ =	shalt  }
0x5e: {  	_ =	shalt  }
0x5f: {  	_ =	shalt  }
0x60: {  	_ =	shalt  }
0x61: {  	_ =	shalt  }
0x62: {  	_ =	shalt  }
0x63: {  	_ =	shalt  }
0x64: {  	_ =	shalt  }
0x65: {  	_ =	shalt  }
0x66: {  	_ =	shalt  }
0x67: {  	_ =	shalt  }
0x68: {  	_ =	shalt  }
0x69: {  	_ =	shalt  }
0x6a: {  	_ =	shalt  }
0x6b: {  	_ =	shalt  }
0x6c: {  	_ =	shalt  }
0x6d: {  	_ =	shalt  }
0x6e: {  	_ =	shalt  }
0x6f: {  	_ =	shalt  }
0x70: {  	_ =	shalt  }
0x71: {  	_ =	shalt  }
0x72: {  	_ =	shalt  }
0x73: {  	_ =	shalt  }
0x74: {  	_ =	shalt  }
0x75: {  	_ =	shalt  }
0x76: {  	_ =	shalt  }
0x77: {  	_ =	shalt  }
0x78: {  	_ =	shalt  }
0x79: {  	_ =	shalt  }
0x7a: {  	_ =	shalt  }
0x7b: {  	_ =	shalt  }
0x7c: {  	_ =	shalt  }
0x7d: {  	_ =	shalt  }
0x7e: {  	_ =	shalt  }
0x7f: {  	_ =	shalt  }
0x80: {  	_ =	shalt  }
0x81: {  	_ =	shalt  }
0x82: {  	_ =	shalt  }
0x83: {  	_ =	shalt  }
0x84: {  	_ =	shalt  }
0x85: {  	_ =	shalt  }
0x86: {  	_ =	shalt  }
0x87: {  	_ =	shalt  }
.Lfunc_end0:
.L_simem_size_0:
called_computation_lowered:
.L_overlay_start_0:
0x88: {  	s2 =	sld [smem:$0x3FD9]  }
0x89: {  	s3 =	sld [smem:$0x3FFE];
	_ =	sdelay $0x1  }
0x8a: {  	s1 =	srdreg.scid  }
0x8b: {  	s0 =	sand.u32 $0x1, s1  }
0x8c: {  	s17 =	sshll.u32 s0, $0xA;
	s2 =	sadd.s32 s3, s2  }
0x8d: {  	s2 =	sadd.s32 s2, s17  }
0x8e: {  	[smem:$0x3FC2] =	sst s2  }
0x8f: {  	_ = 	snop  }
0x90: {  	s2 =	sld [smem:$0x3FD0];
	(tm) =	ssettm $0x1  }
0x91: {  	s18 =	sld [smem:$0x3FFB];
	_ =	sdelay $0x3  }
0x92: {  	_ =	strace s18  }
0x93: {  	s3 =	sld [smem:$0x3FFC];
	_ =	sdelay $0x3  }
0x94: {  	_ =	strace s3  }
0x95: {  	s3 =	sld [smem:$0x3FFD];
	_ =	sdelay $0x3  }
0x96: {  	_ =	strace s3  }
0x97: {  	_ =	strace $0x8FFFFFFF  }
0x98: {  	s19 =	sld [smem:$0x3FDB];
	_ =	sdelay $0x1  }
0x99: {  	s4 =	simm.s32 $_scs_section_size  }
0x9a: {  	s5 =	simm.s32 $_size__tile_overlayer_lowered;
	s6 =	simm.s32 $_tile_overlayer_lowered  }
0x9b: {  	s22 =	simm.s32 $0x1BFF;
	s21 =	sshll.u32 s6, $0x1;
	s3 =	sadd.s32 s4, s19  }
0x9c: {  	s7 =	simm.s32 $0x0;
	s20 =	sshll.u32 s5, $0x1;
	s5 =	sadd.s32 s21, s3  }
0x9d: {  	[timem:s7], [sflag:s22] =	dma.local [hbm:s5], s20  }
0x9e: {  	_ =	swait.ge [sflag:s22], s20  }
0x9f: {  	s4 =	ssub.s32 $0x0, s20;
	[sflag:s22] =	ssyncset.done $0x0  }
0xa0: {  	[sflag:s22] =	ssyncadd.s32 s4;
	_ =	sdelay $0x1  }
0xa1: {  	s23 =	simm.s32 $0x1B8B  }
0xa2: {  	_ =	swait.ge [sflag:s23], $0x1  }
0xa3: {  	[sflag:s23] =	ssyncset.done $0x0  }
0xa4: {  	s25 =	simm.s32 $0x1B8E;
	s24 =	sld [smem:$0x3FFE];
	[sflag:s23] =	ssyncadd.s32 $0xFFFFFFFF  }
0xa5: {  	s26 =	simm.s32 $execute0_lowered;
	[smem:$0x3FD2] =	sst s25  }
0xa6: {  	s5 =	sshll.u32 s26, $0x1;
	_ =	strace $0x80000046;
	[dreg:$0x1] =	wrdreg $0xFFFFFFFF  }
0xa7: {  	s28 =	simm.s32 $_size_execute0_lowered;
	s3 =	sadd.s32 s3, s5;
	[dreg:$0x0] =	wrdreg $0x0  }
0xa8: {  	s5 =	sshll.u32 s28, $0x1;
	[dreg:$0x2] =	wrdreg s3  }
0xa9: {  	[dreg:$0x3] =	wrdreg s5  }
0xaa: {  	[dreg:$0x4] =	wrdreg $0xC0  }
0xab: {  	_ =	task [dreg:s7], $0x5FFFF  }
0xac: {  	[dreg:$0x1] =	wrdreg $0xFFFFFFFF  }
0xad: {  	[dreg:$0x0] =	wrdreg $0x60  }
0xae: {  	[dreg:$0x2] =	wrdreg s2  }
0xaf: {  	[dreg:$0x3] =	wrdreg s24  }
0xb0: {  	[dreg:$0x4] =	wrdreg $0x53000  }
0xb1: {  	[dreg:$0x5] =	wrdreg $0x9  }
0xb2: {  	_ =	task.clear_ibuf [dreg:s7], $0x6FFFF;
	_ =	strace $0x90000046  }
0xb3: {  	s29 =	simm.s32 $0x9;
	_ =	strace $0x80000048  }
0xb4: {  	_ =	swait.ge [sflag:s29], $0x1  }
0xb5: {  	[sflag:s29] =	ssyncadd.s32 $0xFFFFFFFF  }
0xb6: {  	_ =	strace $0x90000048  }
0xb7: {  	_ =	sfence  }
0xb8: {  	s30 =	sld [smem:$0x0];
	_ =	sdelay $0x2  }
0xb9: {  	s31 =	sshll.u32 s1, $0xD;
	s1 =	sshrl.u32 s1, $0x2  }
0xba: {  	s3 =	sand.u32 $0x4000, s31;
	s1 =	sadd.s32 s1, s30  }
0xbb: {  	s0 =	sor.u32 s3, s0;
	s1 =	sshll.u32 s1, $0x11  }
0xbc: {  	s0 =	sor.u32 s1, s0  }
0xbd: {  	s0 =	sadd.s32 $0x8F2B, s0  }
0xbe: {  	[sflag:s0] =	ssyncadd.remote.s32 $0x1  }
0xbf: {  	_ =	sfence.sel $0xFFFF  }
0xc0: {  	[dreg:$0x0] =	wrdreg $0xFFFFFFFF;
	(pc) =	sbr.abs _section_cstart, $3  }
0xc1: {  	[dreg:$0x1] =	wrdreg $0xFFFFFFFF  }
0xc2: {  	_ =	task.clear_ibuf [dreg:s7], $0x2FFFF;
	_ =	strace $0x9FFFFFFF  }
0xc3: {  	(tm) =	ssettm $0x7FFFFFFF  }
tec
execute0_lowered:
.L_overlay_start_1:
0x0: {  	(tag) =	ssettag $0x1  }
0x1: {  	s4 =	rddreg [dreg:$0x0]  }
0x2: {  	s5 =	rddreg [dreg:$0x1]  }
0x3: {  	s1 =	rddreg [dreg:$0x2]  }
0x4: {  	s2 =	srdreg.scid;
	s0 =	rddreg [dreg:$0x3];
	s3 =	simm.s32 $0x0  }
0x5: {  	s11 =	simm.s32 $0x2800;
	s12 =	simm.s32 $0x2B00;
	s13 =	simm.s32 $0x0  }
0x6: {  	s6 =	sand.u32 $0x1, s2;
	s2 =	stileid.u32;
	[smem:$0x7FF] =	sst s3  }
0x7: {  	s7 =	sshll.u32 s6, $0x4;
	s8 =	ssub.s32 $0x2, s6;
	_ =	strace $0x80000047  }
0x8: {  	s10 =	smul.u32 $0x9E0, s2;
	p0 =	seq.s32 s6, $0x1;
	s6 =	simm.s32 $0x13000  }
0x9: {  	s29 =	smul.u32 $0x4F0, s2;
	s7 =	sor.u32 s2, s7;
	s9 =	sshrl.u32 s8, $0x1  }
0xa: {  	s6 =	simm.s32 @!p0 $0xE000;
	s7 =	smul.u32 $0x500, s7;
	s8 =	ssub.s32 s8, s9  }
0xb: {  	s30 =	sshrl.u32 s10, $0x2;
	s31 =	sadd.s32 s6, s5;
	s9 =	simm.s32 $0x2880  }
0xc: {  	s10 =	simm.s32 $0x80;
	s5 =	sadd.s32 s30, s1;
	s6 =	smax.u32 s8, $0x1  }
0xd: {  	v0 =	vimm.f32 $0.0e+00;
	v1 =	vimm.f32 $1.000000000e+00;
	s8 =	simm.s32 $0x1;
	s4 =	sadd.s32 s4, s7;
	s7 =	sadd.s32 s31, s29  }
.LBB2_1:
0xe: {  	[tilespmem:s3], [sflag:$0x1] =	stream.linear.gather [hbm4b:s4+s3], $0x2800, $0x38;
	[tilespmem:$0x5578] =	vst v63  }
0xf: {  	_ =	swait.ge [sflag:s8], $0x2800  }
0x10: {  	[sflag:s8] =	ssyncset.done $0x0  }
0x11: {  	[sflag:s8] =	ssyncadd.s32 $0xFFFFD800  }
0x12: {  	[tilespmem:$0x2880] =	vst v0  }
0x13: {  	[tilespmem:$0x2890] =	vst v0  }
0x14: {  	[tilespmem:$0x28A0] =	vst v0  }
0x15: {  	[tilespmem:$0x28B0] =	vst v0  }
0x16: {  	[tilespmem:$0x28C0] =	vst v0  }
0x17: {  	[tilespmem:$0x28D0] =	vst v0  }
0x18: {  	[tilespmem:$0x28E0] =	vst v0  }
0x19: {  	[tilespmem:$0x28F0] =	vst v0  }
0x1a: {  	[tilespmem:$0x2900] =	vst v0  }
0x1b: {  	[tilespmem:$0x2910] =	vst v0  }
0x1c: {  	[tilespmem:$0x2920] =	vst v0  }
0x1d: {  	[tilespmem:$0x2930] =	vst v0  }
0x1e: {  	[tilespmem:$0x2940] =	vst v0  }
0x1f: {  	[tilespmem:$0x2950] =	vst v0  }
0x20: {  	[tilespmem:$0x2960] =	vst v0  }
0x21: {  	[tilespmem:$0x2970] =	vst v0  }
0x22: {  	[tilespmem:$0x2980] =	vst v0  }
0x23: {  	[tilespmem:$0x2990] =	vst v0  }
0x24: {  	[tilespmem:$0x29A0] =	vst v0  }
0x25: {  	[tilespmem:$0x29B0] =	vst v0  }
0x26: {  	[tilespmem:$0x29C0] =	vst v0  }
0x27: {  	[tilespmem:$0x29D0] =	vst v0  }
0x28: {  	[tilespmem:$0x29E0] =	vst v0  }
0x29: {  	[tilespmem:$0x29F0] =	vst v0  }
0x2a: {  	[tilespmem:$0x2A00] =	vst v0  }
0x2b: {  	[tilespmem:$0x2A10] =	vst v0  }
0x2c: {  	[tilespmem:$0x2A20] =	vst v0  }
0x2d: {  	[tilespmem:$0x2A30] =	vst v0  }
0x2e: {  	[tilespmem:$0x2A40] =	vst v0  }
0x2f: {  	[tilespmem:$0x2A50] =	vst v0  }
0x30: {  	[tilespmem:$0x2A60] =	vst v0  }
0x31: {  	[tilespmem:$0x2A70] =	vst v0  }
0x32: {  	[tilespmem:$0x2A80] =	vst v0  }
0x33: {  	[tilespmem:$0x2A90] =	vst v0  }
0x34: {  	[tilespmem:$0x2AA0] =	vst v0  }
0x35: {  	[tilespmem:$0x2AB0] =	vst v0  }
0x36: {  	[tilespmem:$0x2AC0] =	vst v0  }
0x37: {  	[tilespmem:$0x2AD0] =	vst v0  }
0x38: {  	[tilespmem:$0x2AE0] =	vst v0  }
0x39: {  	[tilespmem:$0x2AF0] =	vst v0  }
0x3a: {  	[tilespmem:$0x2800] =	vst v1  }
0x3b: {  	[tilespmem:$0x2810] =	vst v1  }
0x3c: {  	[tilespmem:$0x2820] =	vst v1  }
0x3d: {  	[tilespmem:$0x2830] =	vst v1  }
0x3e: {  	[tilespmem:$0x2840] =	vst v1  }
0x3f: {  	[tilespmem:$0x2850] =	vst v1  }
0x40: {  	[tilespmem:$0x2860] =	vst v1  }
0x41: {  	[tilespmem:$0x2870] =	vst v1  }
0x42: {  	[spmem:s5] =	stream.linear.scatter [tilespmem:s9], [sflag:$0x1], $0x278, $0x38;
	[tilespmem:$0x5578] =	vst v63  }
0x43: {  	_ =	swait.ge [sflag:s8], $0x278  }
0x44: {  	[sflag:s8] =	ssyncset.done $0x0  }
0x45: {  	[sflag:s8] =	ssyncadd.s32 $0xFFFFFD88  }
0x46: {  	s14 =	simm.s32 $0x0;
	[bflag:$0x0] =	sbarrier.arrive $0xFFFF  }
0x47: {  	[spmem:s1] =	stream.indirect.scatter.add.f32 [tilespmem:s11], [sflag:$0x1], $0x1, s14, s10, $0xb8;
	[tilespmem:$0x5578] =	vst v63  }
0x48: {  	_ =	swait.ge [sflag:s8], $0x80  }
0x49: {  	s14 =	simm.s32 $0x200;
	[sflag:s8] =	ssyncset.done $0x0  }
.LBB2_2:
0x4a: {  	s15 =	sshra.s32 s14, $0x2;
	[sflag:s8] =	ssyncadd.s32 $0xFFFFFF80;
	p0 =	sne.s32 s14, $0x9E00  }
0x4b: {  	[spmem:s1] =	stream.indirect.scatter.add.f32 [tilespmem:s11], [sflag:$0x1], $0x1, s15, s10, $0xb8;
	[tilespmem:$0x5578] =	vst v63  }
.Ltmp0:
0x4c: {  	_ = 	snop;
	(pc) =	sbr.rel @p0 .LBB2_2-.Ltmp0, $4  }
0x4d: {  	_ = 	snop  }
0x4e: {  	s14 =	sadd.s32 $0x200, s14  }
0x4f: {  	_ =	swait.ge [sflag:s8], $0x80  }
0x50: {  	[sflag:s8] =	ssyncset.done $0x0  }
0x51: {  	[sflag:s8] =	ssyncadd.s32 $0xFFFFFF80  }
0x52: {  	[bflag:$0x0] =	sbarrier.arrive $0xFFFF  }
0x53: {  	[tilespmem:s9], [sflag:$0x1] =	stream.linear.gather [spmem:s5], $0x278, $0x38;
	[tilespmem:$0x5578] =	vst v63  }
0x54: {  	_ =	swait.ge [sflag:s8], $0x278  }
0x55: {  	[sflag:s8] =	ssyncset.done $0x0  }
0x56: {  	s14 =	simm.s32 $0x0;
	[sflag:s8] =	ssyncadd.s32 $0xFFFFFD88  }
0x57: {  	v2 =	vld [tilespmem:s14+$0x2880];
	_ =	sdelay $0x4  }
0x58: {  	v3 =	vbroadcast v2, $0x0  }
0x59: {  	s14 =	simm.s32 $0x2B80;
	v4 =	vbroadcast v2, $0x1  }
0x5a: {  	v5 =	vbroadcast v2, $0x2;
	[tilespmem:s14+$0xFFFFFF80] =	vst v3  }
0x5b: {  	v56 =	vbroadcast v2, $0x4;
	[tilespmem:s14+$0xFFFFFF90] =	vst v4  }
0x5c: {  	v57 =	vbroadcast v2, $0x5;
	[tilespmem:s14+$0xFFFFFFA0] =	vst v5  }
0x5d: {  	v58 =	vbroadcast v2, $0x7;
	[tilespmem:s14+$0xFFFFFFC0] =	vst v56  }
0x5e: {  	v59 =	vbroadcast v2, $0x8;
	[tilespmem:s14+$0xFFFFFFD0] =	vst v57  }
0x5f: {  	v60 =	vbroadcast v2, $0xA;
	[tilespmem:s14+$0xFFFFFFF0] =	vst v58  }
0x60: {  	v3 =	vbroadcast v2, $0x3;
	[tilespmem:s14+$0x0] =	vst v59  }
0x61: {  	v61 =	vbroadcast v2, $0xB;
	[tilespmem:s14+$0x20] =	vst v60  }
0x62: {  	[tilespmem:s14+$0xFFFFFFB0] =	vst v3;
	v3 =	vbroadcast v2, $0x6  }
0x63: {  	v62 =	vbroadcast v2, $0xD;
	[tilespmem:s14+$0x30] =	vst v61  }
0x64: {  	[tilespmem:s14+$0xFFFFFFE0] =	vst v3;
	v3 =	vbroadcast v2, $0x9  }
0x65: {  	v63 =	vbroadcast v2, $0xE;
	[tilespmem:s14+$0x50] =	vst v62  }
0x66: {  	[tilespmem:s14+$0x10] =	vst v3;
	v3 =	vbroadcast v2, $0xC  }
0x67: {  	[tilespmem:s14+$0x60] =	vst v63;
	v2 =	vbroadcast v2, $0xF  }
0x68: {  	[tilespmem:s14+$0x40] =	vst v3  }
0x69: {  	s16 =	simm.s32 $0x10;
	s15 =	simm.s32 $0x80;
	[tilespmem:s14+$0x70] =	vst v2  }
.LBB2_4:
0x6a: {  	p0 =	sne.s32 s15, $0x9C0;
	v2 =	vld [tilespmem:s16+$0x2880];
	_ =	sdelay $0x4  }
0x6b: {  	v3 =	vbroadcast v2, $0x0;
	v4 =	vbroadcast v2, $0x1  }
0x6c: {  	s14 =	sadd.s32 $0x100, s14;
	v5 =	vbroadcast v2, $0x2;
	v6 =	vbroadcast v2, $0x3  }
0x6d: {  	v7 =	vbroadcast v2, $0x5;
	[tilespmem:s14+$0xFFFFFF80] =	vst v3;
	v3 =	vbroadcast v2, $0x4  }
0x6e: {  	v8 =	vbroadcast v2, $0x7;
	[tilespmem:s14+$0xFFFFFF90] =	vst v4;
	v4 =	vbroadcast v2, $0x6  }
0x6f: {  	v9 =	vbroadcast v2, $0x9;
	[tilespmem:s14+$0xFFFFFFA0] =	vst v5;
	v5 =	vbroadcast v2, $0x8  }
0x70: {  	v10 =	vbroadcast v2, $0xB;
	[tilespmem:s14+$0xFFFFFFB0] =	vst v6;
	v6 =	vbroadcast v2, $0xA  }
0x71: {  	v11 =	vbroadcast v2, $0xD;
	[tilespmem:s14+$0xFFFFFFC0] =	vst v3;
	v3 =	vbroadcast v2, $0xC  }
0x72: {  	[tilespmem:s14+$0xFFFFFFD0] =	vst v7;
	v7 =	vbroadcast v2, $0xE;
	v2 =	vbroadcast v2, $0xF  }
0x73: {  	[tilespmem:s14+$0xFFFFFFE0] =	vst v4  }
0x74: {  	[tilespmem:s14+$0xFFFFFFF0] =	vst v8  }
0x75: {  	[tilespmem:s14+$0x0] =	vst v5  }
0x76: {  	[tilespmem:s14+$0x10] =	vst v9  }
0x77: {  	[tilespmem:s14+$0x20] =	vst v6  }
.Ltmp1:
0x78: {  	[tilespmem:s14+$0x30] =	vst v10;
	(pc) =	sbr.rel @p0 .LBB2_4-.Ltmp1, $4  }
0x79: {  	[tilespmem:s14+$0x40] =	vst v3  }
0x7a: {  	[tilespmem:s14+$0x50] =	vst v11  }
0x7b: {  	[tilespmem:s14+$0x60] =	vst v7  }
0x7c: {  	s16 =	sshra.s32 s15, $0x2;
	s15 =	sadd.s32 $0x40, s15;
	[tilespmem:s14+$0x70] =	vst v2  }
0x7d: {  	v2 =	vld [tilespmem:s16+$0x2880];
	_ =	sdelay $0x4  }
0x7e: {  	v3 =	vbroadcast v2, $0x0  }
0x7f: {  	s14 =	sadd.s32 $0x100, s14;
	v4 =	vbroadcast v2, $0x1  }
0x80: {  	v5 =	vbroadcast v2, $0x2;
	[tilespmem:s14+$0xFFFFFF80] =	vst v3  }
0x81: {  	v56 =	vbroadcast v2, $0x4;
	[tilespmem:s14+$0xFFFFFF90] =	vst v4  }
0x82: {  	v57 =	vbroadcast v2, $0x5;
	[tilespmem:s14+$0xFFFFFFA0] =	vst v5  }
0x83: {  	v58 =	vbroadcast v2, $0x7;
	[tilespmem:s14+$0xFFFFFFC0] =	vst v56  }
0x84: {  	v59 =	vbroadcast v2, $0x8;
	[tilespmem:s14+$0xFFFFFFD0] =	vst v57  }
0x85: {  	v60 =	vbroadcast v2, $0xA;
	[tilespmem:s14+$0xFFFFFFF0] =	vst v58  }
0x86: {  	v3 =	vbroadcast v2, $0x3;
	[tilespmem:s14+$0x0] =	vst v59  }
0x87: {  	v61 =	vbroadcast v2, $0xB;
	[tilespmem:s14+$0x20] =	vst v60  }
0x88: {  	[tilespmem:s14+$0xFFFFFFB0] =	vst v3;
	v3 =	vbroadcast v2, $0x6  }
0x89: {  	v62 =	vbroadcast v2, $0xD;
	[tilespmem:s14+$0x30] =	vst v61  }
0x8a: {  	[tilespmem:s14+$0xFFFFFFE0] =	vst v3;
	v3 =	vbroadcast v2, $0x9  }
0x8b: {  	v63 =	vbroadcast v2, $0xE;
	[tilespmem:s14+$0x50] =	vst v62  }
0x8c: {  	[tilespmem:s14+$0x10] =	vst v3;
	v3 =	vbroadcast v2, $0xC  }
0x8d: {  	s13 =	sadd.s32 $0x1, s13;
	[tilespmem:s14+$0x60] =	vst v63;
	v2 =	vbroadcast v2, $0xF  }
0x8e: {  	p0 =	sne.s32 s13, s6;
	[tilespmem:s14+$0x40] =	vst v3  }
.Ltmp2:
0x8f: {  	[tilespmem:s14+$0x70] =	vst v2;
	(pc) =	sbr.rel @p0 .LBB2_1-.Ltmp2, $4  }
0x90: {  	[hbm4b:s7+s3] =	stream.linear.scatter [tilespmem:s12], [sflag:$0x1], $0x2780, $0x38;
	[tilespmem:$0x5578] =	vst v63  }
0x91: {  	_ =	swait.ge [sflag:s8], $0x2780  }
0x92: {  	[sflag:s8] =	ssyncset.done $0x0  }
0x93: {  	[sflag:s8] =	ssyncadd.s32 $0xFFFFD880  }
0x94: {  	_ =	sfence.sel $0x180000  }
0x95: {  	[bflag:$0x0] =	sbarrier.arrive $0xFFFF  }
0x96: {  	p0 =	sne.s32 s2, $0x0;
	_ =	strace $0x90000047  }
0x97: {  	s0 =	sadd.s32 @!p0 $0x100000, s0;
	[bflag:$0x2] =	sbarrier.arrive $0xFFFF  }
0x98: {  	[sflag:s0] =	ssyncadd.tile.s32 @!p0 $0x1;
	_ =	shalt  }
.Lfunc_end2:
_tile_overlayer_lowered:
.L_overlay_start_2:
0x99: {  	(tag) =	ssettag $0x2  }
0x9a: {  	s0 =	rddreg [dreg:$0x0];
	s2 =	stileid.u32  }
0x9b: {  	s1 =	rddreg [dreg:$0x1];
	p0 =	sne.s32 s2, $0x0  }
0x9c: {  	s3 =	rddreg [dreg:$0x2];
	[bflag:$0x3] =	sbarrier.arrive $0xFFFF;
	s2 =	simm.s32 @!p0 $0x1C01  }
0x9d: {  	[timem:s3], [sflag:s2] =	dma.local @!p0 [hbm:s0], s1  }
0x9e: {  	s0 =	simm.s32 @!p0 $0x1  }
0x9f: {  	_ =	swait.ge @!p0 [sflag:s0], s1  }
0xa0: {  	s1 =	ssub.s32 @!p0 $0x0, s1;
	[sflag:s0] =	ssyncset.done @!p0 $0x0  }
0xa1: {  	[sflag:s0] =	ssyncadd.s32 @!p0 s1  }
0xa2: {  	[bflag:$0x3] =	sbarrier.arrive $0xFFFF  }
0xa3: {  	_ =	shalt  }

</sc_bundles>
